<compile_context>
chip_gen: v7x
topology: tpu7x:2x2x1
jax: 0.10.2.dev20260603
libtpu: 0.0.44.dev20260713+nightly
codegen_flags: <defaults>
</compile_context>

<pallas_src>
import functools

import numpy as np
import jax
import jax.numpy as jnp
from jax import lax
from jax.experimental import pallas as pl
from jax.experimental.pallas import tpu as pltpu
from jax.experimental.pallas import tpu_sc as plsc

NC, NS = 2, 16
NW = NC * NS
D = 128
B, S, K = 4096, 200, 50
R = B * K
C = 50
NSLAB = R // C
BB = NSLAB // NW
M = 8
P = 4
NR = BB // M


def _make_idx():
    r = np.arange(R, dtype=np.int64)
    idx = (r // K) * S + (r % K) * 4
    return idx.reshape(NW, BB, C).astype(np.int32)


_IDX = _make_idx()

_mesh = plsc.VectorSubcoreMesh(core_axis_name="c", subcore_axis_name="s")


@functools.partial(
    pl.kernel,
    out_type=jax.ShapeDtypeStruct((NSLAB, C, D), jnp.float32),
    mesh=_mesh,
    scratch_types=[
        pltpu.VMEM((BB, C), jnp.int32),
        [pltpu.VMEM((C, D), jnp.float32)] * M,
        [pltpu.SemaphoreType.DMA] * M,
        [pltpu.SemaphoreType.DMA] * M,
    ],
)
def _gather_sc(x_hbm, idx_hbm, out_hbm, idx_v, bufs, gsems, ssems):
    c = lax.axis_index("c")
    s = lax.axis_index("s")
    wid = c * NS + s
    base = wid * BB
    pltpu.sync_copy(idx_hbm.at[wid], idx_v)

    for b in range(P):
        pltpu.async_copy(x_hbm.at[idx_v.at[b]], bufs[b], gsems[b])

    @pl.loop(0, NR)
    def _round(r):
        for b in range(M):
            j = r * M + b
            pltpu.make_async_copy(x_hbm.at[idx_v.at[j]], bufs[b], gsems[b]).wait()
            pltpu.async_copy(bufs[b], out_hbm.at[base + j], ssems[b])

            bs = (b - P) % M

            @pl.when(j >= P)
            def _drain():
                pltpu.make_async_copy(
                    bufs[bs], out_hbm.at[base + j - P], ssems[bs]
                ).wait()

            bn = (b + P) % M

            @pl.when(j + P < BB)
            def _refill():
                pltpu.async_copy(x_hbm.at[idx_v.at[j + P]], bufs[bn], gsems[bn])

    for b in range(P):
        j = BB - P + b
        pltpu.make_async_copy(
            bufs[j % M], out_hbm.at[base + j], ssems[j % M]
        ).wait()


def kernel(x):
    x2 = x.reshape(B * S, D)
    return _gather_sc(x2, _IDX)

# --- scband reference (transcript-rebuilt; emitter-appended) ---
"""Pipeline reference for scband-gather-69690139344971 (READ-ONLY COPY).

The authoritative reference and input builder live on the scoring server;
editing this copy changes nothing except your own understanding.
"""

import jax, jax.numpy as jnp
import numpy as np

AXIS = 1
INDICES = jnp.array([0, 4, 8, 12, 16, 20, 24, 28, 32, 36, 40, 44, 48, 52, 56, 60, 64, 68, 72, 76, 80, 84, 88, 92, 96, 100, 104, 108, 112, 116, 120, 124, 128, 132, 136, 140, 144, 148, 152, 156, 160, 164, 168, 172, 176, 180, 184, 188, 192, 196], dtype=jnp.int32)


def setup_inputs(seed: int = 0) -> dict:
    key = jax.random.key(seed)
    x = jax.random.normal(key, (4096, 200, 128), dtype=jnp.float32)
    return {"x": x}


def reference(x):
    # Faithful translation of tf.gather(x, indices=INDICES, axis=AXIS)
    return jnp.take(x, INDICES, axis=AXIS)

if __name__ == "__main__":
    import jax
    _d = setup_inputs()
    print(jax.jit(kernel)(*tuple(_d.values())))

</pallas_src>

<mosaic_0001>
#map = affine_map<(d0, d1) -> (0, 0)>
#map1 = affine_map<(d0, d1) -> (0, 0, 0)>
module attributes {stable_mosaic.version = 14 : i64} {
  func.func @_gather_sc(%arg0: i32, %arg1: i32, %arg2: memref<819200x128xf32, #tpu.memory_space<hbm>>, %arg3: memref<32x128x50xi32, #tpu.memory_space<hbm>>, %arg4: memref<4096x50x128xf32, #tpu.memory_space<hbm>>, %arg5: memref<128x50xi32, #tpu.memory_space<vmem>>, %arg6: memref<50x128xf32, #tpu.memory_space<vmem>>, %arg7: memref<50x128xf32, #tpu.memory_space<vmem>>, %arg8: memref<50x128xf32, #tpu.memory_space<vmem>>, %arg9: memref<50x128xf32, #tpu.memory_space<vmem>>, %arg10: memref<50x128xf32, #tpu.memory_space<vmem>>, %arg11: memref<50x128xf32, #tpu.memory_space<vmem>>, %arg12: memref<50x128xf32, #tpu.memory_space<vmem>>, %arg13: memref<50x128xf32, #tpu.memory_space<vmem>>, %arg14: memref<!tpu.dma_semaphore, #tpu.memory_space<semaphore_mem>>, %arg15: memref<!tpu.dma_semaphore, #tpu.memory_space<semaphore_mem>>, %arg16: memref<!tpu.dma_semaphore, #tpu.memory_space<semaphore_mem>>, %arg17: memref<!tpu.dma_semaphore, #tpu.memory_space<semaphore_mem>>, %arg18: memref<!tpu.dma_semaphore, #tpu.memory_space<semaphore_mem>>, %arg19: memref<!tpu.dma_semaphore, #tpu.memory_space<semaphore_mem>>, %arg20: memref<!tpu.dma_semaphore, #tpu.memory_space<semaphore_mem>>, %arg21: memref<!tpu.dma_semaphore, #tpu.memory_space<semaphore_mem>>, %arg22: memref<!tpu.dma_semaphore, #tpu.memory_space<semaphore_mem>>, %arg23: memref<!tpu.dma_semaphore, #tpu.memory_space<semaphore_mem>>, %arg24: memref<!tpu.dma_semaphore, #tpu.memory_space<semaphore_mem>>, %arg25: memref<!tpu.dma_semaphore, #tpu.memory_space<semaphore_mem>>, %arg26: memref<!tpu.dma_semaphore, #tpu.memory_space<semaphore_mem>>, %arg27: memref<!tpu.dma_semaphore, #tpu.memory_space<semaphore_mem>>, %arg28: memref<!tpu.dma_semaphore, #tpu.memory_space<semaphore_mem>>, %arg29: memref<!tpu.dma_semaphore, #tpu.memory_space<semaphore_mem>>) attributes {dimension_semantics = [#tpu.dimension_semantics<core_parallel>, #tpu.dimension_semantics<subcore_parallel>], iteration_bounds = array<i64: 2, 16>, scalar_prefetch = 0 : i64, scratch_operands = 25 : i64, tpu.core_type = #tpu.core_type<sc_vector_subcore>, window_params = [{transform_indices = #map}, {transform_indices = #map1}, {transform_indices = #map1}]} {
    %mul3A = arith.constant 16 : i32
    %mul3A_0 = arith.muli %arg0, %mul3A : i32
    %add3A = arith.addi %mul3A_0, %arg1 : i32
    %mul3A_1 = arith.constant 128 : i32
    %mul3A_2 = arith.muli %add3A, %mul3A_1 : i32
    "tpu.region"() ({
      %run_scoped3A = tpu.sem_alloc : memref<!tpu.dma_semaphore, #tpu.memory_space<semaphore_mem>>
      %dma_start3A_73 = arith.constant 0 : i32
      %dma_start3A_74 = arith.constant 0 : i32
      %dma_start3A_75 = tpu.memref_slice %arg3[%add3A, %dma_start3A_73, %dma_start3A_74] : memref<32x128x50xi32, #tpu.memory_space<hbm>> -> memref<1x128x50xi32, #tpu.memory_space<hbm>>
      %dma_start3A_76 = tpu.memref_squeeze %dma_start3A_75 : memref<1x128x50xi32, #tpu.memory_space<hbm>> -> memref<128x50xi32, #tpu.memory_space<hbm>>
      %dma_start3A_77 = arith.constant 0 : i32
      %dma_start3A_78 = arith.constant 0 : i32
      %dma_start3A_79 = tpu.memref_slice %arg3[%add3A, %dma_start3A_77, %dma_start3A_78] : memref<32x128x50xi32, #tpu.memory_space<hbm>> -> memref<1x128x50xi32, #tpu.memory_space<hbm>>
      %dma_start3A_80 = tpu.memref_squeeze %dma_start3A_79 : memref<1x128x50xi32, #tpu.memory_space<hbm>> -> memref<128x50xi32, #tpu.memory_space<hbm>>
      tpu.enqueue_dma source(%dma_start3A_80 : memref<128x50xi32, #tpu.memory_space<hbm>>) target(%arg5 : memref<128x50xi32, #tpu.memory_space<vmem>>) target_semaphore(%run_scoped3A : memref<!tpu.dma_semaphore, #tpu.memory_space<semaphore_mem>>)
      %dma_wait3A_81 = arith.constant 0 : i32
      %dma_wait3A_82 = arith.constant 0 : i32
      %dma_wait3A_83 = tpu.memref_slice %arg3[%add3A, %dma_wait3A_81, %dma_wait3A_82] : memref<32x128x50xi32, #tpu.memory_space<hbm>> -> memref<1x128x50xi32, #tpu.memory_space<hbm>>
      %dma_wait3A_84 = tpu.memref_squeeze %dma_wait3A_83 : memref<1x128x50xi32, #tpu.memory_space<hbm>> -> memref<128x50xi32, #tpu.memory_space<hbm>>
      %dma_wait3A_85 = arith.constant 0 : i32
      %dma_wait3A_86 = arith.constant 0 : i32
      %dma_wait3A_87 = tpu.memref_slice %arg3[%add3A, %dma_wait3A_85, %dma_wait3A_86] : memref<32x128x50xi32, #tpu.memory_space<hbm>> -> memref<1x128x50xi32, #tpu.memory_space<hbm>>
      %dma_wait3A_88 = tpu.memref_squeeze %dma_wait3A_87 : memref<1x128x50xi32, #tpu.memory_space<hbm>> -> memref<128x50xi32, #tpu.memory_space<hbm>>
      tpu.wait_dma2 semaphore(%run_scoped3A : memref<!tpu.dma_semaphore, #tpu.memory_space<semaphore_mem>>) src(%dma_wait3A_88 : memref<128x50xi32, #tpu.memory_space<hbm>>) dst(%arg5 : memref<128x50xi32, #tpu.memory_space<vmem>>)
      tpu.yield
    }) : () -> ()
    %dma_start3A = arith.constant 0 : i32
    %dma_start3A_3 = arith.constant 0 : i32
    %dma_start3A_4 = tpu.memref_slice %arg5[%dma_start3A, %dma_start3A_3] : memref<128x50xi32, #tpu.memory_space<vmem>> -> memref<1x50xi32, #tpu.memory_space<vmem>>
    %dma_start3A_5 = tpu.memref_squeeze %dma_start3A_4 : memref<1x50xi32, #tpu.memory_space<vmem>> -> memref<50xi32, #tpu.memory_space<vmem>>
    %dma_start3A_6 = arith.constant 0 : i32
    %dma_start3A_7 = arith.constant 0 : i32
    %dma_start3A_8 = tpu.memref_slice %arg2[%dma_start3A_6, %dma_start3A_7] : memref<819200x128xf32, #tpu.memory_space<hbm>> -> memref<819200x128xf32, #tpu.memory_space<hbm>>
    tpu.enqueue_indirect_dma source(%dma_start3A_8 : memref<819200x128xf32, #tpu.memory_space<hbm>>) target(%arg6 : memref<50x128xf32, #tpu.memory_space<vmem>>) offsets(%dma_start3A_5 : memref<50xi32, #tpu.memory_space<vmem>>) semaphore(%arg14 : memref<!tpu.dma_semaphore, #tpu.memory_space<semaphore_mem>>)
    %dma_start3A_9 = arith.constant 1 : i32
    %dma_start3A_10 = arith.constant 0 : i32
    %dma_start3A_11 = tpu.memref_slice %arg5[%dma_start3A_9, %dma_start3A_10] : memref<128x50xi32, #tpu.memory_space<vmem>> -> memref<1x50xi32, #tpu.memory_space<vmem>>
    %dma_start3A_12 = tpu.memref_squeeze %dma_start3A_11 : memref<1x50xi32, #tpu.memory_space<vmem>> -> memref<50xi32, #tpu.memory_space<vmem>>
    %dma_start3A_13 = arith.constant 0 : i32
    %dma_start3A_14 = arith.constant 0 : i32
    %dma_start3A_15 = tpu.memref_slice %arg2[%dma_start3A_13, %dma_start3A_14] : memref<819200x128xf32, #tpu.memory_space<hbm>> -> memref<819200x128xf32, #tpu.memory_space<hbm>>
    tpu.enqueue_indirect_dma source(%dma_start3A_15 : memref<819200x128xf32, #tpu.memory_space<hbm>>) target(%arg7 : memref<50x128xf32, #tpu.memory_space<vmem>>) offsets(%dma_start3A_12 : memref<50xi32, #tpu.memory_space<vmem>>) semaphore(%arg15 : memref<!tpu.dma_semaphore, #tpu.memory_space<semaphore_mem>>)
    %dma_start3A_16 = arith.constant 2 : i32
    %dma_start3A_17 = arith.constant 0 : i32
    %dma_start3A_18 = tpu.memref_slice %arg5[%dma_start3A_16, %dma_start3A_17] : memref<128x50xi32, #tpu.memory_space<vmem>> -> memref<1x50xi32, #tpu.memory_space<vmem>>
    %dma_start3A_19 = tpu.memref_squeeze %dma_start3A_18 : memref<1x50xi32, #tpu.memory_space<vmem>> -> memref<50xi32, #tpu.memory_space<vmem>>
    %dma_start3A_20 = arith.constant 0 : i32
    %dma_start3A_21 = arith.constant 0 : i32
    %dma_start3A_22 = tpu.memref_slice %arg2[%dma_start3A_20, %dma_start3A_21] : memref<819200x128xf32, #tpu.memory_space<hbm>> -> memref<819200x128xf32, #tpu.memory_space<hbm>>
    tpu.enqueue_indirect_dma source(%dma_start3A_22 : memref<819200x128xf32, #tpu.memory_space<hbm>>) target(%arg8 : memref<50x128xf32, #tpu.memory_space<vmem>>) offsets(%dma_start3A_19 : memref<50xi32, #tpu.memory_space<vmem>>) semaphore(%arg16 : memref<!tpu.dma_semaphore, #tpu.memory_space<semaphore_mem>>)
    %dma_start3A_23 = arith.constant 3 : i32
    %dma_start3A_24 = arith.constant 0 : i32
    %dma_start3A_25 = tpu.memref_slice %arg5[%dma_start3A_23, %dma_start3A_24] : memref<128x50xi32, #tpu.memory_space<vmem>> -> memref<1x50xi32, #tpu.memory_space<vmem>>
    %dma_start3A_26 = tpu.memref_squeeze %dma_start3A_25 : memref<1x50xi32, #tpu.memory_space<vmem>> -> memref<50xi32, #tpu.memory_space<vmem>>
    %dma_start3A_27 = arith.constant 0 : i32
    %dma_start3A_28 = arith.constant 0 : i32
    %dma_start3A_29 = tpu.memref_slice %arg2[%dma_start3A_27, %dma_start3A_28] : memref<819200x128xf32, #tpu.memory_space<hbm>> -> memref<819200x128xf32, #tpu.memory_space<hbm>>
    tpu.enqueue_indirect_dma source(%dma_start3A_29 : memref<819200x128xf32, #tpu.memory_space<hbm>>) target(%arg9 : memref<50x128xf32, #tpu.memory_space<vmem>>) offsets(%dma_start3A_26 : memref<50xi32, #tpu.memory_space<vmem>>) semaphore(%arg17 : memref<!tpu.dma_semaphore, #tpu.memory_space<semaphore_mem>>)
    %scan3A = arith.constant 0 : i32
    %scan3A_30 = arith.constant 16 : i32
    %scan3A_31 = arith.addi %scan3A, %scan3A_30 : i32
    %scan3A_32 = arith.constant 1 : i32
    scf.for %scan3A_73 = %scan3A to %scan3A_31 step %scan3A_32  : i32 {
      %mul3A_74 = arith.constant 1 : i32
      %mul3A_75 = arith.muli %scan3A_73, %mul3A_74 : i32
      %add3A_76 = arith.constant 0 : i32
      %add3A_77 = arith.addi %add3A_76, %mul3A_75 : i32
      %mul3A_78 = arith.constant 8 : i32
      %mul3A_79 = arith.muli %add3A_77, %mul3A_78 : i32
      %add3A_80 = arith.constant 0 : i32
      %add3A_81 = arith.addi %mul3A_79, %add3A_80 : i32
      %dma_wait3A_82 = arith.constant 0 : i32
      %dma_wait3A_83 = tpu.memref_slice %arg5[%add3A_81, %dma_wait3A_82] : memref<128x50xi32, #tpu.memory_space<vmem>> -> memref<1x50xi32, #tpu.memory_space<vmem>>
      %dma_wait3A_84 = tpu.memref_squeeze %dma_wait3A_83 : memref<1x50xi32, #tpu.memory_space<vmem>> -> memref<50xi32, #tpu.memory_space<vmem>>
      %dma_wait3A_85 = arith.constant 0 : i32
      %dma_wait3A_86 = arith.constant 0 : i32
      %dma_wait3A_87 = tpu.memref_slice %arg2[%dma_wait3A_85, %dma_wait3A_86] : memref<819200x128xf32, #tpu.memory_space<hbm>> -> memref<819200x128xf32, #tpu.memory_space<hbm>>
      tpu.wait_indirect_dma semaphore(%arg14 : memref<!tpu.dma_semaphore, #tpu.memory_space<semaphore_mem>>) src(%dma_wait3A_87 : memref<819200x128xf32, #tpu.memory_space<hbm>>) dst(%arg6 : memref<50x128xf32, #tpu.memory_space<vmem>>)
      %add3A_88 = arith.addi %mul3A_2, %add3A_81 : i32
      %dma_start3A_89 = arith.constant 0 : i32
      %dma_start3A_90 = arith.constant 0 : i32
      %dma_start3A_91 = tpu.memref_slice %arg4[%add3A_88, %dma_start3A_89, %dma_start3A_90] : memref<4096x50x128xf32, #tpu.memory_space<hbm>> -> memref<1x50x128xf32, #tpu.memory_space<hbm>>
      %dma_start3A_92 = tpu.memref_squeeze %dma_start3A_91 : memref<1x50x128xf32, #tpu.memory_space<hbm>> -> memref<50x128xf32, #tpu.memory_space<hbm>>
      %dma_start3A_93 = arith.constant 0 : i32
      %dma_start3A_94 = arith.constant 0 : i32
      %dma_start3A_95 = tpu.memref_slice %arg4[%add3A_88, %dma_start3A_93, %dma_start3A_94] : memref<4096x50x128xf32, #tpu.memory_space<hbm>> -> memref<1x50x128xf32, #tpu.memory_space<hbm>>
      %dma_start3A_96 = tpu.memref_squeeze %dma_start3A_95 : memref<1x50x128xf32, #tpu.memory_space<hbm>> -> memref<50x128xf32, #tpu.memory_space<hbm>>
      tpu.enqueue_dma source(%arg6 : memref<50x128xf32, #tpu.memory_space<vmem>>) target(%dma_start3A_96 : memref<50x128xf32, #tpu.memory_space<hbm>>) target_semaphore(%arg22 : memref<!tpu.dma_semaphore, #tpu.memory_space<semaphore_mem>>)
      %ge3A = arith.constant 4 : i32
      %ge3A_97 = arith.cmpi sge, %add3A_81, %ge3A : i32
      %convert_element_type3A = arith.extui %ge3A_97 : i1 to i32
      %cond3A = arith.constant 0 : i32
      %cond3A_98 = arith.cmpi ne, %convert_element_type3A, %cond3A : i32
      scf.if %cond3A_98 {
        %add3A_322 = arith.addi %mul3A_2, %add3A_81 : i32
        %sub3A = arith.constant 4 : i32
        %sub3A_323 = arith.subi %add3A_322, %sub3A : i32
        %dma_wait3A_324 = arith.constant 0 : i32
        %dma_wait3A_325 = arith.constant 0 : i32
        %dma_wait3A_326 = tpu.memref_slice %arg4[%sub3A_323, %dma_wait3A_324, %dma_wait3A_325] : memref<4096x50x128xf32, #tpu.memory_space<hbm>> -> memref<1x50x128xf32, #tpu.memory_space<hbm>>
        %dma_wait3A_327 = tpu.memref_squeeze %dma_wait3A_326 : memref<1x50x128xf32, #tpu.memory_space<hbm>> -> memref<50x128xf32, #tpu.memory_space<hbm>>
        %dma_wait3A_328 = arith.constant 0 : i32
        %dma_wait3A_329 = arith.constant 0 : i32
        %dma_wait3A_330 = tpu.memref_slice %arg4[%sub3A_323, %dma_wait3A_328, %dma_wait3A_329] : memref<4096x50x128xf32, #tpu.memory_space<hbm>> -> memref<1x50x128xf32, #tpu.memory_space<hbm>>
        %dma_wait3A_331 = tpu.memref_squeeze %dma_wait3A_330 : memref<1x50x128xf32, #tpu.memory_space<hbm>> -> memref<50x128xf32, #tpu.memory_space<hbm>>
        tpu.wait_dma2 semaphore(%arg26 : memref<!tpu.dma_semaphore, #tpu.memory_space<semaphore_mem>>) src(%arg10 : memref<50x128xf32, #tpu.memory_space<vmem>>) dst(%dma_wait3A_331 : memref<50x128xf32, #tpu.memory_space<hbm>>)
      } else {
      }
      %add3A_99 = arith.constant 4 : i32
      %add3A_100 = arith.addi %add3A_81, %add3A_99 : i32
      %lt3A = arith.constant 128 : i32
      %lt3A_101 = arith.cmpi slt, %add3A_100, %lt3A : i32
      %convert_element_type3A_102 = arith.extui %lt3A_101 : i1 to i32
      %cond3A_103 = arith.constant 0 : i32
      %cond3A_104 = arith.cmpi ne, %convert_element_type3A_102, %cond3A_103 : i32
      scf.if %cond3A_104 {
        %add3A_322 = arith.constant 4 : i32
        %add3A_323 = arith.addi %add3A_81, %add3A_322 : i32
        %dma_start3A_324 = arith.constant 0 : i32
        %dma_start3A_325 = tpu.memref_slice %arg5[%add3A_323, %dma_start3A_324] : memref<128x50xi32, #tpu.memory_space<vmem>> -> memref<1x50xi32, #tpu.memory_space<vmem>>
        %dma_start3A_326 = tpu.memref_squeeze %dma_start3A_325 : memref<1x50xi32, #tpu.memory_space<vmem>> -> memref<50xi32, #tpu.memory_space<vmem>>
        %dma_start3A_327 = arith.constant 0 : i32
        %dma_start3A_328 = arith.constant 0 : i32
        %dma_start3A_329 = tpu.memref_slice %arg2[%dma_start3A_327, %dma_start3A_328] : memref<819200x128xf32, #tpu.memory_space<hbm>> -> memref<819200x128xf32, #tpu.memory_space<hbm>>
        tpu.enqueue_indirect_dma source(%dma_start3A_329 : memref<819200x128xf32, #tpu.memory_space<hbm>>) target(%arg10 : memref<50x128xf32, #tpu.memory_space<vmem>>) offsets(%dma_start3A_326 : memref<50xi32, #tpu.memory_space<vmem>>) semaphore(%arg18 : memref<!tpu.dma_semaphore, #tpu.memory_space<semaphore_mem>>)
      } else {
      }
      %mul3A_105 = arith.constant 8 : i32
      %mul3A_106 = arith.muli %add3A_77, %mul3A_105 : i32
      %add3A_107 = arith.constant 1 : i32
      %add3A_108 = arith.addi %mul3A_106, %add3A_107 : i32
      %dma_wait3A_109 = arith.constant 0 : i32
      %dma_wait3A_110 = tpu.memref_slice %arg5[%add3A_108, %dma_wait3A_109] : memref<128x50xi32, #tpu.memory_space<vmem>> -> memref<1x50xi32, #tpu.memory_space<vmem>>
      %dma_wait3A_111 = tpu.memref_squeeze %dma_wait3A_110 : memref<1x50xi32, #tpu.memory_space<vmem>> -> memref<50xi32, #tpu.memory_space<vmem>>
      %dma_wait3A_112 = arith.constant 0 : i32
      %dma_wait3A_113 = arith.constant 0 : i32
      %dma_wait3A_114 = tpu.memref_slice %arg2[%dma_wait3A_112, %dma_wait3A_113] : memref<819200x128xf32, #tpu.memory_space<hbm>> -> memref<819200x128xf32, #tpu.memory_space<hbm>>
      tpu.wait_indirect_dma semaphore(%arg15 : memref<!tpu.dma_semaphore, #tpu.memory_space<semaphore_mem>>) src(%dma_wait3A_114 : memref<819200x128xf32, #tpu.memory_space<hbm>>) dst(%arg7 : memref<50x128xf32, #tpu.memory_space<vmem>>)
      %add3A_115 = arith.addi %mul3A_2, %add3A_108 : i32
      %dma_start3A_116 = arith.constant 0 : i32
      %dma_start3A_117 = arith.constant 0 : i32
      %dma_start3A_118 = tpu.memref_slice %arg4[%add3A_115, %dma_start3A_116, %dma_start3A_117] : memref<4096x50x128xf32, #tpu.memory_space<hbm>> -> memref<1x50x128xf32, #tpu.memory_space<hbm>>
      %dma_start3A_119 = tpu.memref_squeeze %dma_start3A_118 : memref<1x50x128xf32, #tpu.memory_space<hbm>> -> memref<50x128xf32, #tpu.memory_space<hbm>>
      %dma_start3A_120 = arith.constant 0 : i32
      %dma_start3A_121 = arith.constant 0 : i32
      %dma_start3A_122 = tpu.memref_slice %arg4[%add3A_115, %dma_start3A_120, %dma_start3A_121] : memref<4096x50x128xf32, #tpu.memory_space<hbm>> -> memref<1x50x128xf32, #tpu.memory_space<hbm>>
      %dma_start3A_123 = tpu.memref_squeeze %dma_start3A_122 : memref<1x50x128xf32, #tpu.memory_space<hbm>> -> memref<50x128xf32, #tpu.memory_space<hbm>>
      tpu.enqueue_dma source(%arg7 : memref<50x128xf32, #tpu.memory_space<vmem>>) target(%dma_start3A_123 : memref<50x128xf32, #tpu.memory_space<hbm>>) target_semaphore(%arg23 : memref<!tpu.dma_semaphore, #tpu.memory_space<semaphore_mem>>)
      %ge3A_124 = arith.constant 4 : i32
      %ge3A_125 = arith.cmpi sge, %add3A_108, %ge3A_124 : i32
      %convert_element_type3A_126 = arith.extui %ge3A_125 : i1 to i32
      %cond3A_127 = arith.constant 0 : i32
      %cond3A_128 = arith.cmpi ne, %convert_element_type3A_126, %cond3A_127 : i32
      scf.if %cond3A_128 {
        %add3A_322 = arith.addi %mul3A_2, %add3A_108 : i32
        %sub3A = arith.constant 4 : i32
        %sub3A_323 = arith.subi %add3A_322, %sub3A : i32
        %dma_wait3A_324 = arith.constant 0 : i32
        %dma_wait3A_325 = arith.constant 0 : i32
        %dma_wait3A_326 = tpu.memref_slice %arg4[%sub3A_323, %dma_wait3A_324, %dma_wait3A_325] : memref<4096x50x128xf32, #tpu.memory_space<hbm>> -> memref<1x50x128xf32, #tpu.memory_space<hbm>>
        %dma_wait3A_327 = tpu.memref_squeeze %dma_wait3A_326 : memref<1x50x128xf32, #tpu.memory_space<hbm>> -> memref<50x128xf32, #tpu.memory_space<hbm>>
        %dma_wait3A_328 = arith.constant 0 : i32
        %dma_wait3A_329 = arith.constant 0 : i32
        %dma_wait3A_330 = tpu.memref_slice %arg4[%sub3A_323, %dma_wait3A_328, %dma_wait3A_329] : memref<4096x50x128xf32, #tpu.memory_space<hbm>> -> memref<1x50x128xf32, #tpu.memory_space<hbm>>
        %dma_wait3A_331 = tpu.memref_squeeze %dma_wait3A_330 : memref<1x50x128xf32, #tpu.memory_space<hbm>> -> memref<50x128xf32, #tpu.memory_space<hbm>>
        tpu.wait_dma2 semaphore(%arg27 : memref<!tpu.dma_semaphore, #tpu.memory_space<semaphore_mem>>) src(%arg11 : memref<50x128xf32, #tpu.memory_space<vmem>>) dst(%dma_wait3A_331 : memref<50x128xf32, #tpu.memory_space<hbm>>)
      } else {
      }
      %add3A_129 = arith.constant 4 : i32
      %add3A_130 = arith.addi %add3A_108, %add3A_129 : i32
      %lt3A_131 = arith.constant 128 : i32
      %lt3A_132 = arith.cmpi slt, %add3A_130, %lt3A_131 : i32
      %convert_element_type3A_133 = arith.extui %lt3A_132 : i1 to i32
      %cond3A_134 = arith.constant 0 : i32
      %cond3A_135 = arith.cmpi ne, %convert_element_type3A_133, %cond3A_134 : i32
      scf.if %cond3A_135 {
        %add3A_322 = arith.constant 4 : i32
        %add3A_323 = arith.addi %add3A_108, %add3A_322 : i32
        %dma_start3A_324 = arith.constant 0 : i32
        %dma_start3A_325 = tpu.memref_slice %arg5[%add3A_323, %dma_start3A_324] : memref<128x50xi32, #tpu.memory_space<vmem>> -> memref<1x50xi32, #tpu.memory_space<vmem>>
        %dma_start3A_326 = tpu.memref_squeeze %dma_start3A_325 : memref<1x50xi32, #tpu.memory_space<vmem>> -> memref<50xi32, #tpu.memory_space<vmem>>
        %dma_start3A_327 = arith.constant 0 : i32
        %dma_start3A_328 = arith.constant 0 : i32
        %dma_start3A_329 = tpu.memref_slice %arg2[%dma_start3A_327, %dma_start3A_328] : memref<819200x128xf32, #tpu.memory_space<hbm>> -> memref<819200x128xf32, #tpu.memory_space<hbm>>
        tpu.enqueue_indirect_dma source(%dma_start3A_329 : memref<819200x128xf32, #tpu.memory_space<hbm>>) target(%arg11 : memref<50x128xf32, #tpu.memory_space<vmem>>) offsets(%dma_start3A_326 : memref<50xi32, #tpu.memory_space<vmem>>) semaphore(%arg19 : memref<!tpu.dma_semaphore, #tpu.memory_space<semaphore_mem>>)
      } else {
      }
      %mul3A_136 = arith.constant 8 : i32
      %mul3A_137 = arith.muli %add3A_77, %mul3A_136 : i32
      %add3A_138 = arith.constant 2 : i32
      %add3A_139 = arith.addi %mul3A_137, %add3A_138 : i32
      %dma_wait3A_140 = arith.constant 0 : i32
      %dma_wait3A_141 = tpu.memref_slice %arg5[%add3A_139, %dma_wait3A_140] : memref<128x50xi32, #tpu.memory_space<vmem>> -> memref<1x50xi32, #tpu.memory_space<vmem>>
      %dma_wait3A_142 = tpu.memref_squeeze %dma_wait3A_141 : memref<1x50xi32, #tpu.memory_space<vmem>> -> memref<50xi32, #tpu.memory_space<vmem>>
      %dma_wait3A_143 = arith.constant 0 : i32
      %dma_wait3A_144 = arith.constant 0 : i32
      %dma_wait3A_145 = tpu.memref_slice %arg2[%dma_wait3A_143, %dma_wait3A_144] : memref<819200x128xf32, #tpu.memory_space<hbm>> -> memref<819200x128xf32, #tpu.memory_space<hbm>>
      tpu.wait_indirect_dma semaphore(%arg16 : memref<!tpu.dma_semaphore, #tpu.memory_space<semaphore_mem>>) src(%dma_wait3A_145 : memref<819200x128xf32, #tpu.memory_space<hbm>>) dst(%arg8 : memref<50x128xf32, #tpu.memory_space<vmem>>)
      %add3A_146 = arith.addi %mul3A_2, %add3A_139 : i32
      %dma_start3A_147 = arith.constant 0 : i32
      %dma_start3A_148 = arith.constant 0 : i32
      %dma_start3A_149 = tpu.memref_slice %arg4[%add3A_146, %dma_start3A_147, %dma_start3A_148] : memref<4096x50x128xf32, #tpu.memory_space<hbm>> -> memref<1x50x128xf32, #tpu.memory_space<hbm>>
      %dma_start3A_150 = tpu.memref_squeeze %dma_start3A_149 : memref<1x50x128xf32, #tpu.memory_space<hbm>> -> memref<50x128xf32, #tpu.memory_space<hbm>>
      %dma_start3A_151 = arith.constant 0 : i32
      %dma_start3A_152 = arith.constant 0 : i32
      %dma_start3A_153 = tpu.memref_slice %arg4[%add3A_146, %dma_start3A_151, %dma_start3A_152] : memref<4096x50x128xf32, #tpu.memory_space<hbm>> -> memref<1x50x128xf32, #tpu.memory_space<hbm>>
      %dma_start3A_154 = tpu.memref_squeeze %dma_start3A_153 : memref<1x50x128xf32, #tpu.memory_space<hbm>> -> memref<50x128xf32, #tpu.memory_space<hbm>>
      tpu.enqueue_dma source(%arg8 : memref<50x128xf32, #tpu.memory_space<vmem>>) target(%dma_start3A_154 : memref<50x128xf32, #tpu.memory_space<hbm>>) target_semaphore(%arg24 : memref<!tpu.dma_semaphore, #tpu.memory_space<semaphore_mem>>)
      %ge3A_155 = arith.constant 4 : i32
      %ge3A_156 = arith.cmpi sge, %add3A_139, %ge3A_155 : i32
      %convert_element_type3A_157 = arith.extui %ge3A_156 : i1 to i32
      %cond3A_158 = arith.constant 0 : i32
      %cond3A_159 = arith.cmpi ne, %convert_element_type3A_157, %cond3A_158 : i32
      scf.if %cond3A_159 {
        %add3A_322 = arith.addi %mul3A_2, %add3A_139 : i32
        %sub3A = arith.constant 4 : i32
        %sub3A_323 = arith.subi %add3A_322, %sub3A : i32
        %dma_wait3A_324 = arith.constant 0 : i32
        %dma_wait3A_325 = arith.constant 0 : i32
        %dma_wait3A_326 = tpu.memref_slice %arg4[%sub3A_323, %dma_wait3A_324, %dma_wait3A_325] : memref<4096x50x128xf32, #tpu.memory_space<hbm>> -> memref<1x50x128xf32, #tpu.memory_space<hbm>>
        %dma_wait3A_327 = tpu.memref_squeeze %dma_wait3A_326 : memref<1x50x128xf32, #tpu.memory_space<hbm>> -> memref<50x128xf32, #tpu.memory_space<hbm>>
        %dma_wait3A_328 = arith.constant 0 : i32
        %dma_wait3A_329 = arith.constant 0 : i32
        %dma_wait3A_330 = tpu.memref_slice %arg4[%sub3A_323, %dma_wait3A_328, %dma_wait3A_329] : memref<4096x50x128xf32, #tpu.memory_space<hbm>> -> memref<1x50x128xf32, #tpu.memory_space<hbm>>
        %dma_wait3A_331 = tpu.memref_squeeze %dma_wait3A_330 : memref<1x50x128xf32, #tpu.memory_space<hbm>> -> memref<50x128xf32, #tpu.memory_space<hbm>>
        tpu.wait_dma2 semaphore(%arg28 : memref<!tpu.dma_semaphore, #tpu.memory_space<semaphore_mem>>) src(%arg12 : memref<50x128xf32, #tpu.memory_space<vmem>>) dst(%dma_wait3A_331 : memref<50x128xf32, #tpu.memory_space<hbm>>)
      } else {
      }
      %add3A_160 = arith.constant 4 : i32
      %add3A_161 = arith.addi %add3A_139, %add3A_160 : i32
      %lt3A_162 = arith.constant 128 : i32
      %lt3A_163 = arith.cmpi slt, %add3A_161, %lt3A_162 : i32
      %convert_element_type3A_164 = arith.extui %lt3A_163 : i1 to i32
      %cond3A_165 = arith.constant 0 : i32
      %cond3A_166 = arith.cmpi ne, %convert_element_type3A_164, %cond3A_165 : i32
      scf.if %cond3A_166 {
        %add3A_322 = arith.constant 4 : i32
        %add3A_323 = arith.addi %add3A_139, %add3A_322 : i32
        %dma_start3A_324 = arith.constant 0 : i32
        %dma_start3A_325 = tpu.memref_slice %arg5[%add3A_323, %dma_start3A_324] : memref<128x50xi32, #tpu.memory_space<vmem>> -> memref<1x50xi32, #tpu.memory_space<vmem>>
        %dma_start3A_326 = tpu.memref_squeeze %dma_start3A_325 : memref<1x50xi32, #tpu.memory_space<vmem>> -> memref<50xi32, #tpu.memory_space<vmem>>
        %dma_start3A_327 = arith.constant 0 : i32
        %dma_start3A_328 = arith.constant 0 : i32
        %dma_start3A_329 = tpu.memref_slice %arg2[%dma_start3A_327, %dma_start3A_328] : memref<819200x128xf32, #tpu.memory_space<hbm>> -> memref<819200x128xf32, #tpu.memory_space<hbm>>
        tpu.enqueue_indirect_dma source(%dma_start3A_329 : memref<819200x128xf32, #tpu.memory_space<hbm>>) target(%arg12 : memref<50x128xf32, #tpu.memory_space<vmem>>) offsets(%dma_start3A_326 : memref<50xi32, #tpu.memory_space<vmem>>) semaphore(%arg20 : memref<!tpu.dma_semaphore, #tpu.memory_space<semaphore_mem>>)
      } else {
      }
      %mul3A_167 = arith.constant 8 : i32
      %mul3A_168 = arith.muli %add3A_77, %mul3A_167 : i32
      %add3A_169 = arith.constant 3 : i32
      %add3A_170 = arith.addi %mul3A_168, %add3A_169 : i32
      %dma_wait3A_171 = arith.constant 0 : i32
      %dma_wait3A_172 = tpu.memref_slice %arg5[%add3A_170, %dma_wait3A_171] : memref<128x50xi32, #tpu.memory_space<vmem>> -> memref<1x50xi32, #tpu.memory_space<vmem>>
      %dma_wait3A_173 = tpu.memref_squeeze %dma_wait3A_172 : memref<1x50xi32, #tpu.memory_space<vmem>> -> memref<50xi32, #tpu.memory_space<vmem>>
      %dma_wait3A_174 = arith.constant 0 : i32
      %dma_wait3A_175 = arith.constant 0 : i32
      %dma_wait3A_176 = tpu.memref_slice %arg2[%dma_wait3A_174, %dma_wait3A_175] : memref<819200x128xf32, #tpu.memory_space<hbm>> -> memref<819200x128xf32, #tpu.memory_space<hbm>>
      tpu.wait_indirect_dma semaphore(%arg17 : memref<!tpu.dma_semaphore, #tpu.memory_space<semaphore_mem>>) src(%dma_wait3A_176 : memref<819200x128xf32, #tpu.memory_space<hbm>>) dst(%arg9 : memref<50x128xf32, #tpu.memory_space<vmem>>)
      %add3A_177 = arith.addi %mul3A_2, %add3A_170 : i32
      %dma_start3A_178 = arith.constant 0 : i32
      %dma_start3A_179 = arith.constant 0 : i32
      %dma_start3A_180 = tpu.memref_slice %arg4[%add3A_177, %dma_start3A_178, %dma_start3A_179] : memref<4096x50x128xf32, #tpu.memory_space<hbm>> -> memref<1x50x128xf32, #tpu.memory_space<hbm>>
      %dma_start3A_181 = tpu.memref_squeeze %dma_start3A_180 : memref<1x50x128xf32, #tpu.memory_space<hbm>> -> memref<50x128xf32, #tpu.memory_space<hbm>>
      %dma_start3A_182 = arith.constant 0 : i32
      %dma_start3A_183 = arith.constant 0 : i32
      %dma_start3A_184 = tpu.memref_slice %arg4[%add3A_177, %dma_start3A_182, %dma_start3A_183] : memref<4096x50x128xf32, #tpu.memory_space<hbm>> -> memref<1x50x128xf32, #tpu.memory_space<hbm>>
      %dma_start3A_185 = tpu.memref_squeeze %dma_start3A_184 : memref<1x50x128xf32, #tpu.memory_space<hbm>> -> memref<50x128xf32, #tpu.memory_space<hbm>>
      tpu.enqueue_dma source(%arg9 : memref<50x128xf32, #tpu.memory_space<vmem>>) target(%dma_start3A_185 : memref<50x128xf32, #tpu.memory_space<hbm>>) target_semaphore(%arg25 : memref<!tpu.dma_semaphore, #tpu.memory_space<semaphore_mem>>)
      %ge3A_186 = arith.constant 4 : i32
      %ge3A_187 = arith.cmpi sge, %add3A_170, %ge3A_186 : i32
      %convert_element_type3A_188 = arith.extui %ge3A_187 : i1 to i32
      %cond3A_189 = arith.constant 0 : i32
      %cond3A_190 = arith.cmpi ne, %convert_element_type3A_188, %cond3A_189 : i32
      scf.if %cond3A_190 {
        %add3A_322 = arith.addi %mul3A_2, %add3A_170 : i32
        %sub3A = arith.constant 4 : i32
        %sub3A_323 = arith.subi %add3A_322, %sub3A : i32
        %dma_wait3A_324 = arith.constant 0 : i32
        %dma_wait3A_325 = arith.constant 0 : i32
        %dma_wait3A_326 = tpu.memref_slice %arg4[%sub3A_323, %dma_wait3A_324, %dma_wait3A_325] : memref<4096x50x128xf32, #tpu.memory_space<hbm>> -> memref<1x50x128xf32, #tpu.memory_space<hbm>>
        %dma_wait3A_327 = tpu.memref_squeeze %dma_wait3A_326 : memref<1x50x128xf32, #tpu.memory_space<hbm>> -> memref<50x128xf32, #tpu.memory_space<hbm>>
        %dma_wait3A_328 = arith.constant 0 : i32
        %dma_wait3A_329 = arith.constant 0 : i32
        %dma_wait3A_330 = tpu.memref_slice %arg4[%sub3A_323, %dma_wait3A_328, %dma_wait3A_329] : memref<4096x50x128xf32, #tpu.memory_space<hbm>> -> memref<1x50x128xf32, #tpu.memory_space<hbm>>
        %dma_wait3A_331 = tpu.memref_squeeze %dma_wait3A_330 : memref<1x50x128xf32, #tpu.memory_space<hbm>> -> memref<50x128xf32, #tpu.memory_space<hbm>>
        tpu.wait_dma2 semaphore(%arg29 : memref<!tpu.dma_semaphore, #tpu.memory_space<semaphore_mem>>) src(%arg13 : memref<50x128xf32, #tpu.memory_space<vmem>>) dst(%dma_wait3A_331 : memref<50x128xf32, #tpu.memory_space<hbm>>)
      } else {
      }
      %add3A_191 = arith.constant 4 : i32
      %add3A_192 = arith.addi %add3A_170, %add3A_191 : i32
      %lt3A_193 = arith.constant 128 : i32
      %lt3A_194 = arith.cmpi slt, %add3A_192, %lt3A_193 : i32
      %convert_element_type3A_195 = arith.extui %lt3A_194 : i1 to i32
      %cond3A_196 = arith.constant 0 : i32
      %cond3A_197 = arith.cmpi ne, %convert_element_type3A_195, %cond3A_196 : i32
      scf.if %cond3A_197 {
        %add3A_322 = arith.constant 4 : i32
        %add3A_323 = arith.addi %add3A_170, %add3A_322 : i32
        %dma_start3A_324 = arith.constant 0 : i32
        %dma_start3A_325 = tpu.memref_slice %arg5[%add3A_323, %dma_start3A_324] : memref<128x50xi32, #tpu.memory_space<vmem>> -> memref<1x50xi32, #tpu.memory_space<vmem>>
        %dma_start3A_326 = tpu.memref_squeeze %dma_start3A_325 : memref<1x50xi32, #tpu.memory_space<vmem>> -> memref<50xi32, #tpu.memory_space<vmem>>
        %dma_start3A_327 = arith.constant 0 : i32
        %dma_start3A_328 = arith.constant 0 : i32
        %dma_start3A_329 = tpu.memref_slice %arg2[%dma_start3A_327, %dma_start3A_328] : memref<819200x128xf32, #tpu.memory_space<hbm>> -> memref<819200x128xf32, #tpu.memory_space<hbm>>
        tpu.enqueue_indirect_dma source(%dma_start3A_329 : memref<819200x128xf32, #tpu.memory_space<hbm>>) target(%arg13 : memref<50x128xf32, #tpu.memory_space<vmem>>) offsets(%dma_start3A_326 : memref<50xi32, #tpu.memory_space<vmem>>) semaphore(%arg21 : memref<!tpu.dma_semaphore, #tpu.memory_space<semaphore_mem>>)
      } else {
      }
      %mul3A_198 = arith.constant 8 : i32
      %mul3A_199 = arith.muli %add3A_77, %mul3A_198 : i32
      %add3A_200 = arith.constant 4 : i32
      %add3A_201 = arith.addi %mul3A_199, %add3A_200 : i32
      %dma_wait3A_202 = arith.constant 0 : i32
      %dma_wait3A_203 = tpu.memref_slice %arg5[%add3A_201, %dma_wait3A_202] : memref<128x50xi32, #tpu.memory_space<vmem>> -> memref<1x50xi32, #tpu.memory_space<vmem>>
      %dma_wait3A_204 = tpu.memref_squeeze %dma_wait3A_203 : memref<1x50xi32, #tpu.memory_space<vmem>> -> memref<50xi32, #tpu.memory_space<vmem>>
      %dma_wait3A_205 = arith.constant 0 : i32
      %dma_wait3A_206 = arith.constant 0 : i32
      %dma_wait3A_207 = tpu.memref_slice %arg2[%dma_wait3A_205, %dma_wait3A_206] : memref<819200x128xf32, #tpu.memory_space<hbm>> -> memref<819200x128xf32, #tpu.memory_space<hbm>>
      tpu.wait_indirect_dma semaphore(%arg18 : memref<!tpu.dma_semaphore, #tpu.memory_space<semaphore_mem>>) src(%dma_wait3A_207 : memref<819200x128xf32, #tpu.memory_space<hbm>>) dst(%arg10 : memref<50x128xf32, #tpu.memory_space<vmem>>)
      %add3A_208 = arith.addi %mul3A_2, %add3A_201 : i32
      %dma_start3A_209 = arith.constant 0 : i32
      %dma_start3A_210 = arith.constant 0 : i32
      %dma_start3A_211 = tpu.memref_slice %arg4[%add3A_208, %dma_start3A_209, %dma_start3A_210] : memref<4096x50x128xf32, #tpu.memory_space<hbm>> -> memref<1x50x128xf32, #tpu.memory_space<hbm>>
      %dma_start3A_212 = tpu.memref_squeeze %dma_start3A_211 : memref<1x50x128xf32, #tpu.memory_space<hbm>> -> memref<50x128xf32, #tpu.memory_space<hbm>>
      %dma_start3A_213 = arith.constant 0 : i32
      %dma_start3A_214 = arith.constant 0 : i32
      %dma_start3A_215 = tpu.memref_slice %arg4[%add3A_208, %dma_start3A_213, %dma_start3A_214] : memref<4096x50x128xf32, #tpu.memory_space<hbm>> -> memref<1x50x128xf32, #tpu.memory_space<hbm>>
      %dma_start3A_216 = tpu.memref_squeeze %dma_start3A_215 : memref<1x50x128xf32, #tpu.memory_space<hbm>> -> memref<50x128xf32, #tpu.memory_space<hbm>>
      tpu.enqueue_dma source(%arg10 : memref<50x128xf32, #tpu.memory_space<vmem>>) target(%dma_start3A_216 : memref<50x128xf32, #tpu.memory_space<hbm>>) target_semaphore(%arg26 : memref<!tpu.dma_semaphore, #tpu.memory_space<semaphore_mem>>)
      %ge3A_217 = arith.constant 4 : i32
      %ge3A_218 = arith.cmpi sge, %add3A_201, %ge3A_217 : i32
      %convert_element_type3A_219 = arith.extui %ge3A_218 : i1 to i32
      %cond3A_220 = arith.constant 0 : i32
      %cond3A_221 = arith.cmpi ne, %convert_element_type3A_219, %cond3A_220 : i32
      scf.if %cond3A_221 {
        %add3A_322 = arith.addi %mul3A_2, %add3A_201 : i32
        %sub3A = arith.constant 4 : i32
        %sub3A_323 = arith.subi %add3A_322, %sub3A : i32
        %dma_wait3A_324 = arith.constant 0 : i32
        %dma_wait3A_325 = arith.constant 0 : i32
        %dma_wait3A_326 = tpu.memref_slice %arg4[%sub3A_323, %dma_wait3A_324, %dma_wait3A_325] : memref<4096x50x128xf32, #tpu.memory_space<hbm>> -> memref<1x50x128xf32, #tpu.memory_space<hbm>>
        %dma_wait3A_327 = tpu.memref_squeeze %dma_wait3A_326 : memref<1x50x128xf32, #tpu.memory_space<hbm>> -> memref<50x128xf32, #tpu.memory_space<hbm>>
        %dma_wait3A_328 = arith.constant 0 : i32
        %dma_wait3A_329 = arith.constant 0 : i32
        %dma_wait3A_330 = tpu.memref_slice %arg4[%sub3A_323, %dma_wait3A_328, %dma_wait3A_329] : memref<4096x50x128xf32, #tpu.memory_space<hbm>> -> memref<1x50x128xf32, #tpu.memory_space<hbm>>
        %dma_wait3A_331 = tpu.memref_squeeze %dma_wait3A_330 : memref<1x50x128xf32, #tpu.memory_space<hbm>> -> memref<50x128xf32, #tpu.memory_space<hbm>>
        tpu.wait_dma2 semaphore(%arg22 : memref<!tpu.dma_semaphore, #tpu.memory_space<semaphore_mem>>) src(%arg6 : memref<50x128xf32, #tpu.memory_space<vmem>>) dst(%dma_wait3A_331 : memref<50x128xf32, #tpu.memory_space<hbm>>)
      } else {
      }
      %add3A_222 = arith.constant 4 : i32
      %add3A_223 = arith.addi %add3A_201, %add3A_222 : i32
      %lt3A_224 = arith.constant 128 : i32
      %lt3A_225 = arith.cmpi slt, %add3A_223, %lt3A_224 : i32
      %convert_element_type3A_226 = arith.extui %lt3A_225 : i1 to i32
      %cond3A_227 = arith.constant 0 : i32
      %cond3A_228 = arith.cmpi ne, %convert_element_type3A_226, %cond3A_227 : i32
      scf.if %cond3A_228 {
        %add3A_322 = arith.constant 4 : i32
        %add3A_323 = arith.addi %add3A_201, %add3A_322 : i32
        %dma_start3A_324 = arith.constant 0 : i32
        %dma_start3A_325 = tpu.memref_slice %arg5[%add3A_323, %dma_start3A_324] : memref<128x50xi32, #tpu.memory_space<vmem>> -> memref<1x50xi32, #tpu.memory_space<vmem>>
        %dma_start3A_326 = tpu.memref_squeeze %dma_start3A_325 : memref<1x50xi32, #tpu.memory_space<vmem>> -> memref<50xi32, #tpu.memory_space<vmem>>
        %dma_start3A_327 = arith.constant 0 : i32
        %dma_start3A_328 = arith.constant 0 : i32
        %dma_start3A_329 = tpu.memref_slice %arg2[%dma_start3A_327, %dma_start3A_328] : memref<819200x128xf32, #tpu.memory_space<hbm>> -> memref<819200x128xf32, #tpu.memory_space<hbm>>
        tpu.enqueue_indirect_dma source(%dma_start3A_329 : memref<819200x128xf32, #tpu.memory_space<hbm>>) target(%arg6 : memref<50x128xf32, #tpu.memory_space<vmem>>) offsets(%dma_start3A_326 : memref<50xi32, #tpu.memory_space<vmem>>) semaphore(%arg14 : memref<!tpu.dma_semaphore, #tpu.memory_space<semaphore_mem>>)
      } else {
      }
      %mul3A_229 = arith.constant 8 : i32
      %mul3A_230 = arith.muli %add3A_77, %mul3A_229 : i32
      %add3A_231 = arith.constant 5 : i32
      %add3A_232 = arith.addi %mul3A_230, %add3A_231 : i32
      %dma_wait3A_233 = arith.constant 0 : i32
      %dma_wait3A_234 = tpu.memref_slice %arg5[%add3A_232, %dma_wait3A_233] : memref<128x50xi32, #tpu.memory_space<vmem>> -> memref<1x50xi32, #tpu.memory_space<vmem>>
      %dma_wait3A_235 = tpu.memref_squeeze %dma_wait3A_234 : memref<1x50xi32, #tpu.memory_space<vmem>> -> memref<50xi32, #tpu.memory_space<vmem>>
      %dma_wait3A_236 = arith.constant 0 : i32
      %dma_wait3A_237 = arith.constant 0 : i32
      %dma_wait3A_238 = tpu.memref_slice %arg2[%dma_wait3A_236, %dma_wait3A_237] : memref<819200x128xf32, #tpu.memory_space<hbm>> -> memref<819200x128xf32, #tpu.memory_space<hbm>>
      tpu.wait_indirect_dma semaphore(%arg19 : memref<!tpu.dma_semaphore, #tpu.memory_space<semaphore_mem>>) src(%dma_wait3A_238 : memref<819200x128xf32, #tpu.memory_space<hbm>>) dst(%arg11 : memref<50x128xf32, #tpu.memory_space<vmem>>)
      %add3A_239 = arith.addi %mul3A_2, %add3A_232 : i32
      %dma_start3A_240 = arith.constant 0 : i32
      %dma_start3A_241 = arith.constant 0 : i32
      %dma_start3A_242 = tpu.memref_slice %arg4[%add3A_239, %dma_start3A_240, %dma_start3A_241] : memref<4096x50x128xf32, #tpu.memory_space<hbm>> -> memref<1x50x128xf32, #tpu.memory_space<hbm>>
      %dma_start3A_243 = tpu.memref_squeeze %dma_start3A_242 : memref<1x50x128xf32, #tpu.memory_space<hbm>> -> memref<50x128xf32, #tpu.memory_space<hbm>>
      %dma_start3A_244 = arith.constant 0 : i32
      %dma_start3A_245 = arith.constant 0 : i32
      %dma_start3A_246 = tpu.memref_slice %arg4[%add3A_239, %dma_start3A_244, %dma_start3A_245] : memref<4096x50x128xf32, #tpu.memory_space<hbm>> -> memref<1x50x128xf32, #tpu.memory_space<hbm>>
      %dma_start3A_247 = tpu.memref_squeeze %dma_start3A_246 : memref<1x50x128xf32, #tpu.memory_space<hbm>> -> memref<50x128xf32, #tpu.memory_space<hbm>>
      tpu.enqueue_dma source(%arg11 : memref<50x128xf32, #tpu.memory_space<vmem>>) target(%dma_start3A_247 : memref<50x128xf32, #tpu.memory_space<hbm>>) target_semaphore(%arg27 : memref<!tpu.dma_semaphore, #tpu.memory_space<semaphore_mem>>)
      %ge3A_248 = arith.constant 4 : i32
      %ge3A_249 = arith.cmpi sge, %add3A_232, %ge3A_248 : i32
      %convert_element_type3A_250 = arith.extui %ge3A_249 : i1 to i32
      %cond3A_251 = arith.constant 0 : i32
      %cond3A_252 = arith.cmpi ne, %convert_element_type3A_250, %cond3A_251 : i32
      scf.if %cond3A_252 {
        %add3A_322 = arith.addi %mul3A_2, %add3A_232 : i32
        %sub3A = arith.constant 4 : i32
        %sub3A_323 = arith.subi %add3A_322, %sub3A : i32
        %dma_wait3A_324 = arith.constant 0 : i32
        %dma_wait3A_325 = arith.constant 0 : i32
        %dma_wait3A_326 = tpu.memref_slice %arg4[%sub3A_323, %dma_wait3A_324, %dma_wait3A_325] : memref<4096x50x128xf32, #tpu.memory_space<hbm>> -> memref<1x50x128xf32, #tpu.memory_space<hbm>>
        %dma_wait3A_327 = tpu.memref_squeeze %dma_wait3A_326 : memref<1x50x128xf32, #tpu.memory_space<hbm>> -> memref<50x128xf32, #tpu.memory_space<hbm>>
        %dma_wait3A_328 = arith.constant 0 : i32
        %dma_wait3A_329 = arith.constant 0 : i32
        %dma_wait3A_330 = tpu.memref_slice %arg4[%sub3A_323, %dma_wait3A_328, %dma_wait3A_329] : memref<4096x50x128xf32, #tpu.memory_space<hbm>> -> memref<1x50x128xf32, #tpu.memory_space<hbm>>
        %dma_wait3A_331 = tpu.memref_squeeze %dma_wait3A_330 : memref<1x50x128xf32, #tpu.memory_space<hbm>> -> memref<50x128xf32, #tpu.memory_space<hbm>>
        tpu.wait_dma2 semaphore(%arg23 : memref<!tpu.dma_semaphore, #tpu.memory_space<semaphore_mem>>) src(%arg7 : memref<50x128xf32, #tpu.memory_space<vmem>>) dst(%dma_wait3A_331 : memref<50x128xf32, #tpu.memory_space<hbm>>)
      } else {
      }
      %add3A_253 = arith.constant 4 : i32
      %add3A_254 = arith.addi %add3A_232, %add3A_253 : i32
      %lt3A_255 = arith.constant 128 : i32
      %lt3A_256 = arith.cmpi slt, %add3A_254, %lt3A_255 : i32
      %convert_element_type3A_257 = arith.extui %lt3A_256 : i1 to i32
      %cond3A_258 = arith.constant 0 : i32
      %cond3A_259 = arith.cmpi ne, %convert_element_type3A_257, %cond3A_258 : i32
      scf.if %cond3A_259 {
        %add3A_322 = arith.constant 4 : i32
        %add3A_323 = arith.addi %add3A_232, %add3A_322 : i32
        %dma_start3A_324 = arith.constant 0 : i32
        %dma_start3A_325 = tpu.memref_slice %arg5[%add3A_323, %dma_start3A_324] : memref<128x50xi32, #tpu.memory_space<vmem>> -> memref<1x50xi32, #tpu.memory_space<vmem>>
        %dma_start3A_326 = tpu.memref_squeeze %dma_start3A_325 : memref<1x50xi32, #tpu.memory_space<vmem>> -> memref<50xi32, #tpu.memory_space<vmem>>
        %dma_start3A_327 = arith.constant 0 : i32
        %dma_start3A_328 = arith.constant 0 : i32
        %dma_start3A_329 = tpu.memref_slice %arg2[%dma_start3A_327, %dma_start3A_328] : memref<819200x128xf32, #tpu.memory_space<hbm>> -> memref<819200x128xf32, #tpu.memory_space<hbm>>
        tpu.enqueue_indirect_dma source(%dma_start3A_329 : memref<819200x128xf32, #tpu.memory_space<hbm>>) target(%arg7 : memref<50x128xf32, #tpu.memory_space<vmem>>) offsets(%dma_start3A_326 : memref<50xi32, #tpu.memory_space<vmem>>) semaphore(%arg15 : memref<!tpu.dma_semaphore, #tpu.memory_space<semaphore_mem>>)
      } else {
      }
      %mul3A_260 = arith.constant 8 : i32
      %mul3A_261 = arith.muli %add3A_77, %mul3A_260 : i32
      %add3A_262 = arith.constant 6 : i32
      %add3A_263 = arith.addi %mul3A_261, %add3A_262 : i32
      %dma_wait3A_264 = arith.constant 0 : i32
      %dma_wait3A_265 = tpu.memref_slice %arg5[%add3A_263, %dma_wait3A_264] : memref<128x50xi32, #tpu.memory_space<vmem>> -> memref<1x50xi32, #tpu.memory_space<vmem>>
      %dma_wait3A_266 = tpu.memref_squeeze %dma_wait3A_265 : memref<1x50xi32, #tpu.memory_space<vmem>> -> memref<50xi32, #tpu.memory_space<vmem>>
      %dma_wait3A_267 = arith.constant 0 : i32
      %dma_wait3A_268 = arith.constant 0 : i32
      %dma_wait3A_269 = tpu.memref_slice %arg2[%dma_wait3A_267, %dma_wait3A_268] : memref<819200x128xf32, #tpu.memory_space<hbm>> -> memref<819200x128xf32, #tpu.memory_space<hbm>>
      tpu.wait_indirect_dma semaphore(%arg20 : memref<!tpu.dma_semaphore, #tpu.memory_space<semaphore_mem>>) src(%dma_wait3A_269 : memref<819200x128xf32, #tpu.memory_space<hbm>>) dst(%arg12 : memref<50x128xf32, #tpu.memory_space<vmem>>)
      %add3A_270 = arith.addi %mul3A_2, %add3A_263 : i32
      %dma_start3A_271 = arith.constant 0 : i32
      %dma_start3A_272 = arith.constant 0 : i32
      %dma_start3A_273 = tpu.memref_slice %arg4[%add3A_270, %dma_start3A_271, %dma_start3A_272] : memref<4096x50x128xf32, #tpu.memory_space<hbm>> -> memref<1x50x128xf32, #tpu.memory_space<hbm>>
      %dma_start3A_274 = tpu.memref_squeeze %dma_start3A_273 : memref<1x50x128xf32, #tpu.memory_space<hbm>> -> memref<50x128xf32, #tpu.memory_space<hbm>>
      %dma_start3A_275 = arith.constant 0 : i32
      %dma_start3A_276 = arith.constant 0 : i32
      %dma_start3A_277 = tpu.memref_slice %arg4[%add3A_270, %dma_start3A_275, %dma_start3A_276] : memref<4096x50x128xf32, #tpu.memory_space<hbm>> -> memref<1x50x128xf32, #tpu.memory_space<hbm>>
      %dma_start3A_278 = tpu.memref_squeeze %dma_start3A_277 : memref<1x50x128xf32, #tpu.memory_space<hbm>> -> memref<50x128xf32, #tpu.memory_space<hbm>>
      tpu.enqueue_dma source(%arg12 : memref<50x128xf32, #tpu.memory_space<vmem>>) target(%dma_start3A_278 : memref<50x128xf32, #tpu.memory_space<hbm>>) target_semaphore(%arg28 : memref<!tpu.dma_semaphore, #tpu.memory_space<semaphore_mem>>)
      %ge3A_279 = arith.constant 4 : i32
      %ge3A_280 = arith.cmpi sge, %add3A_263, %ge3A_279 : i32
      %convert_element_type3A_281 = arith.extui %ge3A_280 : i1 to i32
      %cond3A_282 = arith.constant 0 : i32
      %cond3A_283 = arith.cmpi ne, %convert_element_type3A_281, %cond3A_282 : i32
      scf.if %cond3A_283 {
        %add3A_322 = arith.addi %mul3A_2, %add3A_263 : i32
        %sub3A = arith.constant 4 : i32
        %sub3A_323 = arith.subi %add3A_322, %sub3A : i32
        %dma_wait3A_324 = arith.constant 0 : i32
        %dma_wait3A_325 = arith.constant 0 : i32
        %dma_wait3A_326 = tpu.memref_slice %arg4[%sub3A_323, %dma_wait3A_324, %dma_wait3A_325] : memref<4096x50x128xf32, #tpu.memory_space<hbm>> -> memref<1x50x128xf32, #tpu.memory_space<hbm>>
        %dma_wait3A_327 = tpu.memref_squeeze %dma_wait3A_326 : memref<1x50x128xf32, #tpu.memory_space<hbm>> -> memref<50x128xf32, #tpu.memory_space<hbm>>
        %dma_wait3A_328 = arith.constant 0 : i32
        %dma_wait3A_329 = arith.constant 0 : i32
        %dma_wait3A_330 = tpu.memref_slice %arg4[%sub3A_323, %dma_wait3A_328, %dma_wait3A_329] : memref<4096x50x128xf32, #tpu.memory_space<hbm>> -> memref<1x50x128xf32, #tpu.memory_space<hbm>>
        %dma_wait3A_331 = tpu.memref_squeeze %dma_wait3A_330 : memref<1x50x128xf32, #tpu.memory_space<hbm>> -> memref<50x128xf32, #tpu.memory_space<hbm>>
        tpu.wait_dma2 semaphore(%arg24 : memref<!tpu.dma_semaphore, #tpu.memory_space<semaphore_mem>>) src(%arg8 : memref<50x128xf32, #tpu.memory_space<vmem>>) dst(%dma_wait3A_331 : memref<50x128xf32, #tpu.memory_space<hbm>>)
      } else {
      }
      %add3A_284 = arith.constant 4 : i32
      %add3A_285 = arith.addi %add3A_263, %add3A_284 : i32
      %lt3A_286 = arith.constant 128 : i32
      %lt3A_287 = arith.cmpi slt, %add3A_285, %lt3A_286 : i32
      %convert_element_type3A_288 = arith.extui %lt3A_287 : i1 to i32
      %cond3A_289 = arith.constant 0 : i32
      %cond3A_290 = arith.cmpi ne, %convert_element_type3A_288, %cond3A_289 : i32
      scf.if %cond3A_290 {
        %add3A_322 = arith.constant 4 : i32
        %add3A_323 = arith.addi %add3A_263, %add3A_322 : i32
        %dma_start3A_324 = arith.constant 0 : i32
        %dma_start3A_325 = tpu.memref_slice %arg5[%add3A_323, %dma_start3A_324] : memref<128x50xi32, #tpu.memory_space<vmem>> -> memref<1x50xi32, #tpu.memory_space<vmem>>
        %dma_start3A_326 = tpu.memref_squeeze %dma_start3A_325 : memref<1x50xi32, #tpu.memory_space<vmem>> -> memref<50xi32, #tpu.memory_space<vmem>>
        %dma_start3A_327 = arith.constant 0 : i32
        %dma_start3A_328 = arith.constant 0 : i32
        %dma_start3A_329 = tpu.memref_slice %arg2[%dma_start3A_327, %dma_start3A_328] : memref<819200x128xf32, #tpu.memory_space<hbm>> -> memref<819200x128xf32, #tpu.memory_space<hbm>>
        tpu.enqueue_indirect_dma source(%dma_start3A_329 : memref<819200x128xf32, #tpu.memory_space<hbm>>) target(%arg8 : memref<50x128xf32, #tpu.memory_space<vmem>>) offsets(%dma_start3A_326 : memref<50xi32, #tpu.memory_space<vmem>>) semaphore(%arg16 : memref<!tpu.dma_semaphore, #tpu.memory_space<semaphore_mem>>)
      } else {
      }
      %mul3A_291 = arith.constant 8 : i32
      %mul3A_292 = arith.muli %add3A_77, %mul3A_291 : i32
      %add3A_293 = arith.constant 7 : i32
      %add3A_294 = arith.addi %mul3A_292, %add3A_293 : i32
      %dma_wait3A_295 = arith.constant 0 : i32
      %dma_wait3A_296 = tpu.memref_slice %arg5[%add3A_294, %dma_wait3A_295] : memref<128x50xi32, #tpu.memory_space<vmem>> -> memref<1x50xi32, #tpu.memory_space<vmem>>
      %dma_wait3A_297 = tpu.memref_squeeze %dma_wait3A_296 : memref<1x50xi32, #tpu.memory_space<vmem>> -> memref<50xi32, #tpu.memory_space<vmem>>
      %dma_wait3A_298 = arith.constant 0 : i32
      %dma_wait3A_299 = arith.constant 0 : i32
      %dma_wait3A_300 = tpu.memref_slice %arg2[%dma_wait3A_298, %dma_wait3A_299] : memref<819200x128xf32, #tpu.memory_space<hbm>> -> memref<819200x128xf32, #tpu.memory_space<hbm>>
      tpu.wait_indirect_dma semaphore(%arg21 : memref<!tpu.dma_semaphore, #tpu.memory_space<semaphore_mem>>) src(%dma_wait3A_300 : memref<819200x128xf32, #tpu.memory_space<hbm>>) dst(%arg13 : memref<50x128xf32, #tpu.memory_space<vmem>>)
      %add3A_301 = arith.addi %mul3A_2, %add3A_294 : i32
      %dma_start3A_302 = arith.constant 0 : i32
      %dma_start3A_303 = arith.constant 0 : i32
      %dma_start3A_304 = tpu.memref_slice %arg4[%add3A_301, %dma_start3A_302, %dma_start3A_303] : memref<4096x50x128xf32, #tpu.memory_space<hbm>> -> memref<1x50x128xf32, #tpu.memory_space<hbm>>
      %dma_start3A_305 = tpu.memref_squeeze %dma_start3A_304 : memref<1x50x128xf32, #tpu.memory_space<hbm>> -> memref<50x128xf32, #tpu.memory_space<hbm>>
      %dma_start3A_306 = arith.constant 0 : i32
      %dma_start3A_307 = arith.constant 0 : i32
      %dma_start3A_308 = tpu.memref_slice %arg4[%add3A_301, %dma_start3A_306, %dma_start3A_307] : memref<4096x50x128xf32, #tpu.memory_space<hbm>> -> memref<1x50x128xf32, #tpu.memory_space<hbm>>
      %dma_start3A_309 = tpu.memref_squeeze %dma_start3A_308 : memref<1x50x128xf32, #tpu.memory_space<hbm>> -> memref<50x128xf32, #tpu.memory_space<hbm>>
      tpu.enqueue_dma source(%arg13 : memref<50x128xf32, #tpu.memory_space<vmem>>) target(%dma_start3A_309 : memref<50x128xf32, #tpu.memory_space<hbm>>) target_semaphore(%arg29 : memref<!tpu.dma_semaphore, #tpu.memory_space<semaphore_mem>>)
      %ge3A_310 = arith.constant 4 : i32
      %ge3A_311 = arith.cmpi sge, %add3A_294, %ge3A_310 : i32
      %convert_element_type3A_312 = arith.extui %ge3A_311 : i1 to i32
      %cond3A_313 = arith.constant 0 : i32
      %cond3A_314 = arith.cmpi ne, %convert_element_type3A_312, %cond3A_313 : i32
      scf.if %cond3A_314 {
        %add3A_322 = arith.addi %mul3A_2, %add3A_294 : i32
        %sub3A = arith.constant 4 : i32
        %sub3A_323 = arith.subi %add3A_322, %sub3A : i32
        %dma_wait3A_324 = arith.constant 0 : i32
        %dma_wait3A_325 = arith.constant 0 : i32
        %dma_wait3A_326 = tpu.memref_slice %arg4[%sub3A_323, %dma_wait3A_324, %dma_wait3A_325] : memref<4096x50x128xf32, #tpu.memory_space<hbm>> -> memref<1x50x128xf32, #tpu.memory_space<hbm>>
        %dma_wait3A_327 = tpu.memref_squeeze %dma_wait3A_326 : memref<1x50x128xf32, #tpu.memory_space<hbm>> -> memref<50x128xf32, #tpu.memory_space<hbm>>
        %dma_wait3A_328 = arith.constant 0 : i32
        %dma_wait3A_329 = arith.constant 0 : i32
        %dma_wait3A_330 = tpu.memref_slice %arg4[%sub3A_323, %dma_wait3A_328, %dma_wait3A_329] : memref<4096x50x128xf32, #tpu.memory_space<hbm>> -> memref<1x50x128xf32, #tpu.memory_space<hbm>>
        %dma_wait3A_331 = tpu.memref_squeeze %dma_wait3A_330 : memref<1x50x128xf32, #tpu.memory_space<hbm>> -> memref<50x128xf32, #tpu.memory_space<hbm>>
        tpu.wait_dma2 semaphore(%arg25 : memref<!tpu.dma_semaphore, #tpu.memory_space<semaphore_mem>>) src(%arg9 : memref<50x128xf32, #tpu.memory_space<vmem>>) dst(%dma_wait3A_331 : memref<50x128xf32, #tpu.memory_space<hbm>>)
      } else {
      }
      %add3A_315 = arith.constant 4 : i32
      %add3A_316 = arith.addi %add3A_294, %add3A_315 : i32
      %lt3A_317 = arith.constant 128 : i32
      %lt3A_318 = arith.cmpi slt, %add3A_316, %lt3A_317 : i32
      %convert_element_type3A_319 = arith.extui %lt3A_318 : i1 to i32
      %cond3A_320 = arith.constant 0 : i32
      %cond3A_321 = arith.cmpi ne, %convert_element_type3A_319, %cond3A_320 : i32
      scf.if %cond3A_321 {
        %add3A_322 = arith.constant 4 : i32
        %add3A_323 = arith.addi %add3A_294, %add3A_322 : i32
        %dma_start3A_324 = arith.constant 0 : i32
        %dma_start3A_325 = tpu.memref_slice %arg5[%add3A_323, %dma_start3A_324] : memref<128x50xi32, #tpu.memory_space<vmem>> -> memref<1x50xi32, #tpu.memory_space<vmem>>
        %dma_start3A_326 = tpu.memref_squeeze %dma_start3A_325 : memref<1x50xi32, #tpu.memory_space<vmem>> -> memref<50xi32, #tpu.memory_space<vmem>>
        %dma_start3A_327 = arith.constant 0 : i32
        %dma_start3A_328 = arith.constant 0 : i32
        %dma_start3A_329 = tpu.memref_slice %arg2[%dma_start3A_327, %dma_start3A_328] : memref<819200x128xf32, #tpu.memory_space<hbm>> -> memref<819200x128xf32, #tpu.memory_space<hbm>>
        tpu.enqueue_indirect_dma source(%dma_start3A_329 : memref<819200x128xf32, #tpu.memory_space<hbm>>) target(%arg9 : memref<50x128xf32, #tpu.memory_space<vmem>>) offsets(%dma_start3A_326 : memref<50xi32, #tpu.memory_space<vmem>>) semaphore(%arg17 : memref<!tpu.dma_semaphore, #tpu.memory_space<semaphore_mem>>)
      } else {
      }
    }
    %scan3A_33 = arith.constant 16 : i32
    %add3A_34 = arith.constant 124 : i32
    %add3A_35 = arith.addi %mul3A_2, %add3A_34 : i32
    %dma_wait3A = arith.constant 0 : i32
    %dma_wait3A_36 = arith.constant 0 : i32
    %dma_wait3A_37 = tpu.memref_slice %arg4[%add3A_35, %dma_wait3A, %dma_wait3A_36] : memref<4096x50x128xf32, #tpu.memory_space<hbm>> -> memref<1x50x128xf32, #tpu.memory_space<hbm>>
    %dma_wait3A_38 = tpu.memref_squeeze %dma_wait3A_37 : memref<1x50x128xf32, #tpu.memory_space<hbm>> -> memref<50x128xf32, #tpu.memory_space<hbm>>
    %dma_wait3A_39 = arith.constant 0 : i32
    %dma_wait3A_40 = arith.constant 0 : i32
    %dma_wait3A_41 = tpu.memref_slice %arg4[%add3A_35, %dma_wait3A_39, %dma_wait3A_40] : memref<4096x50x128xf32, #tpu.memory_space<hbm>> -> memref<1x50x128xf32, #tpu.memory_space<hbm>>
    %dma_wait3A_42 = tpu.memref_squeeze %dma_wait3A_41 : memref<1x50x128xf32, #tpu.memory_space<hbm>> -> memref<50x128xf32, #tpu.memory_space<hbm>>
    tpu.wait_dma2 semaphore(%arg26 : memref<!tpu.dma_semaphore, #tpu.memory_space<semaphore_mem>>) src(%arg10 : memref<50x128xf32, #tpu.memory_space<vmem>>) dst(%dma_wait3A_42 : memref<50x128xf32, #tpu.memory_space<hbm>>)
    %add3A_43 = arith.constant 125 : i32
    %add3A_44 = arith.addi %mul3A_2, %add3A_43 : i32
    %dma_wait3A_45 = arith.constant 0 : i32
    %dma_wait3A_46 = arith.constant 0 : i32
    %dma_wait3A_47 = tpu.memref_slice %arg4[%add3A_44, %dma_wait3A_45, %dma_wait3A_46] : memref<4096x50x128xf32, #tpu.memory_space<hbm>> -> memref<1x50x128xf32, #tpu.memory_space<hbm>>
    %dma_wait3A_48 = tpu.memref_squeeze %dma_wait3A_47 : memref<1x50x128xf32, #tpu.memory_space<hbm>> -> memref<50x128xf32, #tpu.memory_space<hbm>>
    %dma_wait3A_49 = arith.constant 0 : i32
    %dma_wait3A_50 = arith.constant 0 : i32
    %dma_wait3A_51 = tpu.memref_slice %arg4[%add3A_44, %dma_wait3A_49, %dma_wait3A_50] : memref<4096x50x128xf32, #tpu.memory_space<hbm>> -> memref<1x50x128xf32, #tpu.memory_space<hbm>>
    %dma_wait3A_52 = tpu.memref_squeeze %dma_wait3A_51 : memref<1x50x128xf32, #tpu.memory_space<hbm>> -> memref<50x128xf32, #tpu.memory_space<hbm>>
    tpu.wait_dma2 semaphore(%arg27 : memref<!tpu.dma_semaphore, #tpu.memory_space<semaphore_mem>>) src(%arg11 : memref<50x128xf32, #tpu.memory_space<vmem>>) dst(%dma_wait3A_52 : memref<50x128xf32, #tpu.memory_space<hbm>>)
    %add3A_53 = arith.constant 126 : i32
    %add3A_54 = arith.addi %mul3A_2, %add3A_53 : i32
    %dma_wait3A_55 = arith.constant 0 : i32
    %dma_wait3A_56 = arith.constant 0 : i32
    %dma_wait3A_57 = tpu.memref_slice %arg4[%add3A_54, %dma_wait3A_55, %dma_wait3A_56] : memref<4096x50x128xf32, #tpu.memory_space<hbm>> -> memref<1x50x128xf32, #tpu.memory_space<hbm>>
    %dma_wait3A_58 = tpu.memref_squeeze %dma_wait3A_57 : memref<1x50x128xf32, #tpu.memory_space<hbm>> -> memref<50x128xf32, #tpu.memory_space<hbm>>
    %dma_wait3A_59 = arith.constant 0 : i32
    %dma_wait3A_60 = arith.constant 0 : i32
    %dma_wait3A_61 = tpu.memref_slice %arg4[%add3A_54, %dma_wait3A_59, %dma_wait3A_60] : memref<4096x50x128xf32, #tpu.memory_space<hbm>> -> memref<1x50x128xf32, #tpu.memory_space<hbm>>
    %dma_wait3A_62 = tpu.memref_squeeze %dma_wait3A_61 : memref<1x50x128xf32, #tpu.memory_space<hbm>> -> memref<50x128xf32, #tpu.memory_space<hbm>>
    tpu.wait_dma2 semaphore(%arg28 : memref<!tpu.dma_semaphore, #tpu.memory_space<semaphore_mem>>) src(%arg12 : memref<50x128xf32, #tpu.memory_space<vmem>>) dst(%dma_wait3A_62 : memref<50x128xf32, #tpu.memory_space<hbm>>)
    %add3A_63 = arith.constant 127 : i32
    %add3A_64 = arith.addi %mul3A_2, %add3A_63 : i32
    %dma_wait3A_65 = arith.constant 0 : i32
    %dma_wait3A_66 = arith.constant 0 : i32
    %dma_wait3A_67 = tpu.memref_slice %arg4[%add3A_64, %dma_wait3A_65, %dma_wait3A_66] : memref<4096x50x128xf32, #tpu.memory_space<hbm>> -> memref<1x50x128xf32, #tpu.memory_space<hbm>>
    %dma_wait3A_68 = tpu.memref_squeeze %dma_wait3A_67 : memref<1x50x128xf32, #tpu.memory_space<hbm>> -> memref<50x128xf32, #tpu.memory_space<hbm>>
    %dma_wait3A_69 = arith.constant 0 : i32
    %dma_wait3A_70 = arith.constant 0 : i32
    %dma_wait3A_71 = tpu.memref_slice %arg4[%add3A_64, %dma_wait3A_69, %dma_wait3A_70] : memref<4096x50x128xf32, #tpu.memory_space<hbm>> -> memref<1x50x128xf32, #tpu.memory_space<hbm>>
    %dma_wait3A_72 = tpu.memref_squeeze %dma_wait3A_71 : memref<1x50x128xf32, #tpu.memory_space<hbm>> -> memref<50x128xf32, #tpu.memory_space<hbm>>
    tpu.wait_dma2 semaphore(%arg29 : memref<!tpu.dma_semaphore, #tpu.memory_space<semaphore_mem>>) src(%arg13 : memref<50x128xf32, #tpu.memory_space<vmem>>) dst(%dma_wait3A_72 : memref<50x128xf32, #tpu.memory_space<hbm>>)
    return
  }
}

</mosaic_0001>

<sc_bundles>
// kernel: kernel.3.cloned.1.call-start
scs
__scs_entry_jumppad:
0x0: {  	(pc) =	sbr.rel $0x88, $3  }
0x1: {  	(tag) =	ssettag $0x0;
	lr =	simm.s32 $0x1  }
0x2: {  	[smem:$0x3FA0] =	sst lr;
	_ =	strace $0xD0000000  }
0x3: {  	_ = 	snop  }
0x4: {  	_ = 	snop  }
0x5: {  	_ = 	snop  }
0x6: {  	_ = 	snop  }
0x7: {  	_ = 	snop  }
__scs_overlays_trampoline_lowered:
0x8: {  	[smem:$0x3FAF] =	sst s0  }
0x9: {  	[smem:$0x3FB0] =	sst s1  }
0xa: {  	[smem:$0x3FB1] =	sst s2  }
0xb: {  	[smem:$0x3FB2] =	sst s3  }
0xc: {  	[smem:$0x3FB3] =	sst s4  }
0xd: {  	[smem:$0x3FB4] =	sst s5  }
0xe: {  	[smem:$0x3FB5] =	sst s6  }
0xf: {  	[smem:$0x3FB6] =	sst s7  }
0x10: {  	[smem:$0x3FB7] =	sst s8  }
0x11: {  	[smem:$0x3FB8] =	sst s9;
	s0 =	simm.s32 @!p0 $0x0  }
0x12: {  	s1 =	sld [smem:$0x3F9E];
	s0 =	simm.s32 @p0 $0x1  }
0x13: {  	[smem:$0x3FB9] =	sst s0;
	s0 =	simm.s32 @!p1 $0x0  }
0x14: {  	s2 =	sld [smem:$0x3F9D];
	s0 =	simm.s32 @p1 $0x1  }
0x15: {  	[smem:$0x3FBA] =	sst s0;
	s0 =	simm.s32 @!p2 $0x0  }
0x16: {  	s3 =	sld [smem:$0x3FDB];
	s0 =	simm.s32 @p2 $0x1  }
0x17: {  	s4 =	simm.s32 $0x1BF5;
	[smem:$0x3FBC] =	sst s0  }
0x18: {  	s0 =	sld [smem:$0x3F9F];
	_ =	swait.ge [sflag:s4], $0x0  }
0x19: {  	s7 =	sld [smem:$0x3FA0]  }
0x1a: {  	s8 =	sadd.s32 $0xFFFFE003, lr  }
0x1b: {  	s9 =	sadd.s32 $0xFFFFFEF7, lr;
	s5 =	simm.s32 $0xFFFFFFFF;
	p2 =	slt.u32 s8, $0xFFFFF086  }
0x1c: {  	p1 =	slt.u32 s9, $0xF7A;
	s5 =	simm.s32 @!p2 $0x0  }
0x1d: {  	s5 =	simm.s32 @p1 $0x1;
	p0 =	seq.s32 s7, s2  }
0x1e: {  	s7 =	smul.u32 @!p0 $0xF7A, s2;
	p2 =	seq.s32 @!p0 s5, $0x0  }
0x1f: {  	s9 =	smul.u32 $0xF7A, s1;
	s8 =	simm.s32 @!p0 $0x1BF5;
	p2 =	por !p2, p0  }
0x20: {  	[sflag:s8] =	ssyncset.s32 @!p0 $0xFFFFF086;
	s6 =	sadd.s32 @!p0 s3, s7;
	s7 =	simm.s32 @!p0 $0x108  }
0x21: {  	s3 =	sadd.s32 s3, s9;
	s6 =	sadd.s32 @!p0 $0x88, s6;
	s7 =	simm.s32 @p2 $0x1082  }
0x22: {  	[simem:s7], [sflag:s8] =	dma.local @!p0 [hbm:s6], $0xF7A  }
0x23: {  	s9 =	sor.u32 $0xD0000000, s2;
	s6 =	simm.s32 $0x108;
	_ =	swait.ge @!p0 [sflag:s8], $0x0  }
0x24: {  	s3 =	sadd.s32 $0x88, s3;
	s6 =	simm.s32 @!p1 $0x1082;
	[sflag:s4] =	ssyncset.s32 $0xFFFFF086  }
0x25: {  	[simem:s6], [sflag:s4] =	dma.local [hbm:s3], $0xF7A  }
0x26: {  	[smem:$0x3FA0] =	sst s1;
	(tag) =	ssettag s2;
	_ =	strace s9  }
0x27: {  	s1 =	sld [smem:$0x3FB0]  }
0x28: {  	s2 =	sld [smem:$0x3FB1]  }
0x29: {  	s4 =	sld [smem:$0x3FB3]  }
0x2a: {  	p0 =	seq.s32 s5, $0x0;
	s5 =	sld [smem:$0x3FB4]  }
0x2b: {  	s6 =	sld [smem:$0x3FB5]  }
0x2c: {  	s7 =	sld [smem:$0x3FB6]  }
0x2d: {  	s3 =	simm.s32 $0x108;
	s8 =	sld [smem:$0x3FB7]  }
0x2e: {  	s3 =	simm.s32 @!p0 $0x1082;
	s9 =	sld [smem:$0x3FB8]  }
0x2f: {  	lr =	sadd.s32 s0, s3;
	s0 =	sld [smem:$0x3FAF]  }
0x30: {  	s3 =	sld [smem:$0x3FB2]  }
0x31: {  	[smem:$0x3FBB] =	sst s10  }
0x32: {  	s10 =	sld [smem:$0x3FB9];
	_ =	sdelay $0x3  }
0x33: {  	p0 =	seq.s32 s10, $0x1;
	s10 =	sld [smem:$0x3FBB];
	_ =	sdelay $0x3  }
0x34: {  	[smem:$0x3FBB] =	sst s10  }
0x35: {  	s10 =	sld [smem:$0x3FBA];
	_ =	sdelay $0x3  }
0x36: {  	p1 =	seq.s32 s10, $0x1;
	s10 =	sld [smem:$0x3FBB];
	_ =	sdelay $0x3  }
0x37: {  	[smem:$0x3FBB] =	sst s10  }
0x38: {  	s10 =	sld [smem:$0x3FBC]  }
0x39: {  	_ = 	snop;
	(pc) =	sbr.ind lr, $3  }
0x3a: {  	_ = 	snop  }
0x3b: {  	_ = 	snop  }
0x3c: {  	p2 =	seq.s32 s10, $0x1;
	s10 =	sld [smem:$0x3FBB]  }
0x3d: {  	_ =	shalt  }
0x3e: {  	_ =	shalt  }
0x3f: {  	_ =	shalt  }
0x40: {  	_ =	shalt  }
0x41: {  	_ =	shalt  }
0x42: {  	_ =	shalt  }
0x43: {  	_ =	shalt  }
0x44: {  	_ =	shalt  }
0x45: {  	_ =	shalt  }
0x46: {  	_ =	shalt  }
0x47: {  	_ =	shalt  }
0x48: {  	_ =	shalt  }
0x49: {  	_ =	shalt  }
0x4a: {  	_ =	shalt  }
0x4b: {  	_ =	shalt  }
0x4c: {  	_ =	shalt  }
0x4d: {  	_ =	shalt  }
0x4e: {  	_ =	shalt  }
0x4f: {  	_ =	shalt  }
0x50: {  	_ =	shalt  }
0x51: {  	_ =	shalt  }
0x52: {  	_ =	shalt  }
0x53: {  	_ =	shalt  }
0x54: {  	_ =	shalt  }
0x55: {  	_ =	shalt  }
0x56: {  	_ =	shalt  }
0x57: {  	_ =	shalt  }
0x58: {  	_ =	shalt  }
0x59: {  	_ =	shalt  }
0x5a: {  	_ =	shalt  }
0x5b: {  	_ =	shalt  }
0x5c: {  	_ =	shalt  }
0x5d: {  	_ =	shalt  }
0x5e: {  	_ =	shalt  }
0x5f: {  	_ =	shalt  }
0x60: {  	_ =	shalt  }
0x61: {  	_ =	shalt  }
0x62: {  	_ =	shalt  }
0x63: {  	_ =	shalt  }
0x64: {  	_ =	shalt  }
0x65: {  	_ =	shalt  }
0x66: {  	_ =	shalt  }
0x67: {  	_ =	shalt  }
0x68: {  	_ =	shalt  }
0x69: {  	_ =	shalt  }
0x6a: {  	_ =	shalt  }
0x6b: {  	_ =	shalt  }
0x6c: {  	_ =	shalt  }
0x6d: {  	_ =	shalt  }
0x6e: {  	_ =	shalt  }
0x6f: {  	_ =	shalt  }
0x70: {  	_ =	shalt  }
0x71: {  	_ =	shalt  }
0x72: {  	_ =	shalt  }
0x73: {  	_ =	shalt  }
0x74: {  	_ =	shalt  }
0x75: {  	_ =	shalt  }
0x76: {  	_ =	shalt  }
0x77: {  	_ =	shalt  }
0x78: {  	_ =	shalt  }
0x79: {  	_ =	shalt  }
0x7a: {  	_ =	shalt  }
0x7b: {  	_ =	shalt  }
0x7c: {  	_ =	shalt  }
0x7d: {  	_ =	shalt  }
0x7e: {  	_ =	shalt  }
0x7f: {  	_ =	shalt  }
0x80: {  	_ =	shalt  }
0x81: {  	_ =	shalt  }
0x82: {  	_ =	shalt  }
0x83: {  	_ =	shalt  }
0x84: {  	_ =	shalt  }
0x85: {  	_ =	shalt  }
0x86: {  	_ =	shalt  }
0x87: {  	_ =	shalt  }
.Lfunc_end0:
.L_simem_size_0:
called_computation_lowered:
.L_overlay_start_0:
0x88: {  	s2 =	sld [smem:$0x3FD9]  }
0x89: {  	s3 =	sld [smem:$0x3FFE];
	_ =	sdelay $0x1  }
0x8a: {  	s1 =	srdreg.scid  }
0x8b: {  	s0 =	sand.u32 $0x1, s1  }
0x8c: {  	s17 =	sshll.u32 s0, $0xA;
	s2 =	sadd.s32 s3, s2  }
0x8d: {  	s2 =	sadd.s32 s2, s17  }
0x8e: {  	[smem:$0x3FC7] =	sst s2  }
0x8f: {  	_ = 	snop  }
0x90: {  	s2 =	sld [smem:$0x3FC9]  }
0x91: {  	s18 =	sld [smem:$0x3FD0];
	(tm) =	ssettm $0x1  }
0x92: {  	s4 =	sld [smem:$0x3FFB];
	_ =	sdelay $0x3  }
0x93: {  	_ =	strace s4  }
0x94: {  	s4 =	sld [smem:$0x3FFC];
	_ =	sdelay $0x3  }
0x95: {  	_ =	strace s4  }
0x96: {  	s4 =	sld [smem:$0x3FFD];
	_ =	sdelay $0x3  }
0x97: {  	_ =	strace s4  }
0x98: {  	_ =	strace $0x8FFFFFFF  }
0x99: {  	s19 =	sld [smem:$0x3FDB];
	_ =	sdelay $0x1  }
0x9a: {  	s5 =	simm.s32 $_scs_section_size  }
0x9b: {  	s6 =	simm.s32 $_size__tile_overlayer_lowered;
	s7 =	simm.s32 $_tile_overlayer_lowered  }
0x9c: {  	s22 =	simm.s32 $0x1BFF;
	s21 =	sshll.u32 s7, $0x1;
	s4 =	sadd.s32 s5, s19  }
0x9d: {  	s8 =	simm.s32 $0x0;
	s20 =	sshll.u32 s6, $0x1;
	s6 =	sadd.s32 s21, s4  }
0x9e: {  	[timem:s8], [sflag:s22] =	dma.local [hbm:s6], s20  }
0x9f: {  	_ =	swait.ge [sflag:s22], s20  }
0xa0: {  	s5 =	ssub.s32 $0x0, s20;
	[sflag:s22] =	ssyncset.done $0x0  }
0xa1: {  	[sflag:s22] =	ssyncadd.s32 s5;
	_ =	sdelay $0x1  }
0xa2: {  	s23 =	simm.s32 $0x1B8B  }
0xa3: {  	_ =	swait.ge [sflag:s23], $0x1  }
0xa4: {  	[sflag:s23] =	ssyncset.done $0x0  }
0xa5: {  	s25 =	simm.s32 $0x1B8E;
	s24 =	sld [smem:$0x3FFE];
	[sflag:s23] =	ssyncadd.s32 $0xFFFFFFFF  }
0xa6: {  	s26 =	simm.s32 $execute0_lowered;
	[smem:$0x3FD2] =	sst s25  }
0xa7: {  	s6 =	sshll.u32 s26, $0x1;
	_ =	strace $0x80000046;
	[dreg:$0x1] =	wrdreg $0xFFFFFFFF  }
0xa8: {  	s28 =	simm.s32 $_size_execute0_lowered;
	s4 =	sadd.s32 s4, s6;
	[dreg:$0x0] =	wrdreg $0x0  }
0xa9: {  	s6 =	sshll.u32 s28, $0x1;
	[dreg:$0x2] =	wrdreg s4  }
0xaa: {  	[dreg:$0x3] =	wrdreg s6  }
0xab: {  	[dreg:$0x4] =	wrdreg $0xC0  }
0xac: {  	_ =	task [dreg:s8], $0x5FFFF  }
0xad: {  	[dreg:$0x1] =	wrdreg $0xFFFFFFFF  }
0xae: {  	[dreg:$0x0] =	wrdreg $0x60  }
0xaf: {  	[dreg:$0x2] =	wrdreg s2  }
0xb0: {  	[dreg:$0x3] =	wrdreg s18  }
0xb1: {  	[dreg:$0x4] =	wrdreg s24  }
0xb2: {  	[dreg:$0x5] =	wrdreg $0x9  }
0xb3: {  	_ =	task.clear_ibuf [dreg:s8], $0x6FFFF;
	_ =	strace $0x90000046  }
0xb4: {  	s29 =	simm.s32 $0x9;
	_ =	strace $0x80000048  }
0xb5: {  	_ =	swait.ge [sflag:s29], $0x1  }
0xb6: {  	[sflag:s29] =	ssyncadd.s32 $0xFFFFFFFF  }
0xb7: {  	_ =	strace $0x90000048  }
0xb8: {  	_ =	sfence  }
0xb9: {  	s30 =	sld [smem:$0x0];
	_ =	sdelay $0x2  }
0xba: {  	s31 =	sshll.u32 s1, $0xD;
	s1 =	sshrl.u32 s1, $0x2  }
0xbb: {  	s3 =	sand.u32 $0x4000, s31;
	s1 =	sadd.s32 s1, s30  }
0xbc: {  	s0 =	sor.u32 s3, s0;
	s1 =	sshll.u32 s1, $0x11  }
0xbd: {  	s0 =	sor.u32 s1, s0  }
0xbe: {  	s0 =	sadd.s32 $0x8F2B, s0  }
0xbf: {  	[sflag:s0] =	ssyncadd.remote.s32 $0x1  }
0xc0: {  	_ =	sfence.sel $0xFFFF  }
0xc1: {  	[dreg:$0x0] =	wrdreg $0xFFFFFFFF;
	(pc) =	sbr.abs _section_cstart, $3  }
0xc2: {  	[dreg:$0x1] =	wrdreg $0xFFFFFFFF  }
0xc3: {  	_ =	task.clear_ibuf [dreg:s8], $0x2FFFF;
	_ =	strace $0x9FFFFFFF  }
0xc4: {  	(tm) =	ssettm $0x7FFFFFFF  }
0xc5: {  	_ =	shalt  }
tec
execute0_lowered:
.L_overlay_start_1:
0x0: {  	(tag) =	ssettag $0x1  }
0x1: {  	s1 =	rddreg [dreg:$0x0]  }
0x2: {  	s0 =	rddreg [dreg:$0x1]  }
0x3: {  	s3 =	rddreg [dreg:$0x2]  }
0x4: {  	s4 =	srdreg.scid;
	s2 =	simm.s32 $0x0;
	s8 =	stileid.u32  }
0x5: {  	s9 =	simm.s32 $0x4000;
	s11 =	simm.s32 $0x5C00;
	s13 =	simm.s32 $0x7800  }
0x6: {  	s15 =	simm.s32 $0x9400;
	s16 =	simm.s32 $0x1;
	s17 =	simm.s32 $0xB000  }
0x7: {  	s18 =	simm.s32 $0x2;
	s19 =	simm.s32 $0xCC00;
	s20 =	simm.s32 $0x3  }
0x8: {  	s21 =	simm.s32 $0xE800;
	s22 =	simm.s32 $0x4;
	s23 =	simm.s32 $0x10400  }
0x9: {  	s28 =	simm.s32 $0xA;
	s29 =	simm.s32 $0x7;
	s30 =	simm.s32 $0xB  }
0xa: {  	s31 =	simm.s32 $0x8;
	s4 =	sand.u32 $0x1, s4;
	s6 =	smul.u32 $0x1C000, s8  }
0xb: {  	[smem:$0x7FF] =	sst s2;
	s8 =	sshll.u32 s8, $0xB;
	s5 =	smul.u32 $0x1C0000, s4  }
0xc: {  	_ =	strace $0x80000047;
	s24 =	ssub.s32 $0x2, s4;
	s4 =	sshll.u32 s4, $0xF  }
0xd: {  	s7 =	sshrl.u32 s24, $0x1;
	s4 =	sor.u32 s8, s4;
	s8 =	simm.s32 $0x32  }
.Ltmp0:
0xe: {  	s3 =	sadd.s32 s5, s3;
	s5 =	ssub.s32 s24, s7;
	(pc) =	sbr.rel .LBB2_1-.Ltmp0, $4  }
0xf: {  	s0 =	sadd.s32 s0, s4;
	s24 =	simm.s32 $0x5;
	s4 =	simm.s32 $0x0  }
0x10: {  	s3 =	sadd.s32 s6, s3;
	[dreg:$0x4] =	wrdreg s0;
	s25 =	smax.u32 s5, $0x1  }
0x11: {  	s0 =	simm.s32 $0xC;
	[dreg:$0x5] =	wrdreg s25;
	s26 =	sadd.s32 $0x400, s3  }
0x12: {  	s25 =	simm.s32 $0x9;
	[dreg:$0x6] =	wrdreg s26;
	s26 =	simm.s32 $0x6  }
.LBB2_4:
0x13: {  	s3 =	simm.s32 $0xD  }
0x14: {  	_ =	swait.ge [sflag:s3], $0x1900  }
0x15: {  	[sflag:s3] =	ssyncset.done $0x0  }
0x16: {  	s10 =	simm.s32 $0xE;
	[sflag:s3] =	ssyncadd.s32 $0xFFFFE700  }
0x17: {  	_ =	swait.ge [sflag:s10], $0x1900  }
0x18: {  	[sflag:s10] =	ssyncset.done $0x0  }
0x19: {  	s12 =	simm.s32 $0xF;
	[sflag:s10] =	ssyncadd.s32 $0xFFFFE700  }
0x1a: {  	_ =	swait.ge [sflag:s12], $0x1900  }
0x1b: {  	[sflag:s12] =	ssyncset.done $0x0  }
0x1c: {  	s5 =	simm.s32 $0x10;
	[sflag:s12] =	ssyncadd.s32 $0xFFFFE700  }
0x1d: {  	_ =	swait.ge [sflag:s5], $0x1900  }
0x1e: {  	s4 =	sadd.s32 $0x1, s4;
	s14 =	rddreg [dreg:$0x5]  }
0x1f: {  	p0 =	sne.s32 s4, s14  }
.Ltmp1:
0x20: {  	_ = 	snop;
	(pc) =	sbr.rel @!p0 .LBB2_5-.Ltmp1, $3  }
0x21: {  	_ =	sdelay $0x1  }
0x22: {  	[sflag:s5] =	ssyncset.done $0x0  }
0x23: {  	[sflag:s5] =	ssyncadd.s32 $0xFFFFE700  }
.LBB2_1:
0x24: {  	s3 =	rddreg [dreg:$0x4];
	s7 =	simm.s32 $0x11  }
0x25: {  	[tilespmem:s2], [sflag:$0x11] =	stream.linear.gather [hbm4b:s3+s2], $0x4000, $0x38;
	[tilespmem:$0x12000] =	vst v63  }
0x26: {  	_ =	swait.ge [sflag:s7], $0x4000  }
0x27: {  	[sflag:s7] =	ssyncset.done $0x0  }
0x28: {  	[sflag:s7] =	ssyncadd.s32 $0xFFFFC000  }
0x29: {  	[tilespmem:s9], [sflag:$0x1] =	stream.indirect.gather [hbm4b:s1+s8], $0x80, s2, s8, $0xb8;
	[tilespmem:$0x12000] =	vst v63  }
0x2a: {  	s10 =	simm.s32 $0x80  }
0x2b: {  	[tilespmem:s11], [sflag:$0x2] =	stream.indirect.gather [hbm4b:s1+s8], $0x80, s10, s8, $0xb8;
	[tilespmem:$0x12000] =	vst v63  }
0x2c: {  	s12 =	simm.s32 $0x100  }
0x2d: {  	[tilespmem:s13], [sflag:$0x3] =	stream.indirect.gather [hbm4b:s1+s8], $0x80, s12, s8, $0xb8;
	[tilespmem:$0x12000] =	vst v63  }
0x2e: {  	s14 =	simm.s32 $0x180;
	s5 =	simm.s32 $0x0;
	s6 =	rddreg [dreg:$0x6]  }
0x2f: {  	[tilespmem:s15], [sflag:$0x4] =	stream.indirect.gather [hbm4b:s1+s8], $0x80, s14, s8, $0xb8;
	[tilespmem:$0x12000] =	vst v63  }
.LBB2_2:
0x30: {  	_ =	swait.ge [sflag:s16], $0x1900  }
0x31: {  	p0 =	seq.s32 s5, $0x0;
	[sflag:s16] =	ssyncset.done $0x0  }
0x32: {  	s3 =	simm.s32 @!p0 $0xD;
	[sflag:s16] =	ssyncadd.s32 $0xFFFFE700  }
0x33: {  	[hbm4b:s6+s2] =	stream.linear.scatter [tilespmem:s9], [sflag:$0x9], $0x1900, $0x38;
	[tilespmem:$0x12000] =	vst v63  }
0x34: {  	_ =	swait.ge @!p0 [sflag:s3], $0x1900  }
0x35: {  	s7 =	sshra.s32 s5, $0x2;
	[sflag:s3] =	ssyncset.done @!p0 $0x0  }
0x36: {  	s10 =	sadd.s32 $0x200, s7;
	[sflag:s3] =	ssyncadd.s32 @!p0 $0xFFFFE700  }
0x37: {  	[tilespmem:s17], [sflag:$0x5] =	stream.indirect.gather [hbm4b:s1+s8], $0x80, s10, s8, $0xb8;
	[tilespmem:$0x12000] =	vst v63  }
0x38: {  	_ =	swait.ge [sflag:s18], $0x1900  }
0x39: {  	[sflag:s18] =	ssyncset.done $0x0  }
0x3a: {  	s12 =	sadd.s32 $0x380, s6;
	s3 =	simm.s32 @!p0 $0xE;
	[sflag:s18] =	ssyncadd.s32 $0xFFFFE700  }
0x3b: {  	[hbm4b:s12+s2] =	stream.linear.scatter [tilespmem:s11], [sflag:$0xA], $0x1900, $0x38;
	[tilespmem:$0x12000] =	vst v63  }
0x3c: {  	_ =	swait.ge @!p0 [sflag:s3], $0x1900  }
0x3d: {  	[sflag:s3] =	ssyncset.done @!p0 $0x0  }
0x3e: {  	s14 =	sadd.s32 $0x280, s7;
	[sflag:s3] =	ssyncadd.s32 @!p0 $0xFFFFE700  }
0x3f: {  	[tilespmem:s19], [sflag:$0x6] =	stream.indirect.gather [hbm4b:s1+s8], $0x80, s14, s8, $0xb8;
	[tilespmem:$0x12000] =	vst v63  }
0x40: {  	_ =	swait.ge [sflag:s20], $0x1900  }
0x41: {  	[sflag:s20] =	ssyncset.done $0x0  }
0x42: {  	s10 =	sadd.s32 $0x700, s6;
	s3 =	simm.s32 @!p0 $0xF;
	[sflag:s20] =	ssyncadd.s32 $0xFFFFE700  }
0x43: {  	[hbm4b:s10+s2] =	stream.linear.scatter [tilespmem:s13], [sflag:$0xB], $0x1900, $0x38;
	[tilespmem:$0x12000] =	vst v63  }
0x44: {  	_ =	swait.ge @!p0 [sflag:s3], $0x1900  }
0x45: {  	[sflag:s3] =	ssyncset.done @!p0 $0x0  }
0x46: {  	s12 =	sadd.s32 $0x300, s7;
	[sflag:s3] =	ssyncadd.s32 @!p0 $0xFFFFE700  }
0x47: {  	[tilespmem:s21], [sflag:$0x7] =	stream.indirect.gather [hbm4b:s1+s8], $0x80, s12, s8, $0xb8;
	[tilespmem:$0x12000] =	vst v63  }
0x48: {  	_ =	swait.ge [sflag:s22], $0x1900  }
0x49: {  	[sflag:s22] =	ssyncset.done $0x0  }
0x4a: {  	s14 =	sadd.s32 $0xA80, s6;
	s3 =	simm.s32 @!p0 $0x10;
	[sflag:s22] =	ssyncadd.s32 $0xFFFFE700  }
0x4b: {  	[hbm4b:s14+s2] =	stream.linear.scatter [tilespmem:s15], [sflag:$0xC], $0x1900, $0x38;
	[tilespmem:$0x12000] =	vst v63  }
0x4c: {  	_ =	swait.ge @!p0 [sflag:s3], $0x1900  }
0x4d: {  	[sflag:s3] =	ssyncset.done @!p0 $0x0  }
0x4e: {  	s10 =	sadd.s32 $0x380, s7;
	[sflag:s3] =	ssyncadd.s32 @!p0 $0xFFFFE700  }
0x4f: {  	[tilespmem:s23], [sflag:$0x8] =	stream.indirect.gather [hbm4b:s1+s8], $0x80, s10, s8, $0xb8;
	[tilespmem:$0x12000] =	vst v63  }
0x50: {  	_ =	swait.ge [sflag:s24], $0x1900  }
0x51: {  	[sflag:s24] =	ssyncset.done $0x0  }
0x52: {  	s12 =	sadd.s32 $0xE00, s6;
	[sflag:s24] =	ssyncadd.s32 $0xFFFFE700  }
0x53: {  	[hbm4b:s12+s2] =	stream.linear.scatter [tilespmem:s17], [sflag:$0xD], $0x1900, $0x38;
	[tilespmem:$0x12000] =	vst v63  }
0x54: {  	p0 =	seq.s32 s5, $0xF000;
	_ =	swait.ge [sflag:s25], $0x1900  }
0x55: {  	s3 =	sshra.s32 @!p0 s5, $0x2;
	s14 =	simm.s32 @!p0 $0x4000;
	[sflag:s25] =	ssyncset.done $0x0  }
0x56: {  	s10 =	sadd.s32 @!p0 $0x400, s3;
	s12 =	simm.s32 @!p0 $0x32;
	[sflag:s25] =	ssyncadd.s32 $0xFFFFE700  }
0x57: {  	[tilespmem:s14], [sflag:$0x1] =	stream.indirect.gather @!p0 [hbm4b:s1+s12], $0x80, s10, s12, $0xb8;
	[tilespmem:$0x12000] =	vst v63  }
0x58: {  	_ =	swait.ge [sflag:s26], $0x1900  }
0x59: {  	[sflag:s26] =	ssyncset.done $0x0  }
0x5a: {  	s14 =	sadd.s32 $0x1180, s6;
	[sflag:s26] =	ssyncadd.s32 $0xFFFFE700  }
0x5b: {  	[hbm4b:s14+s2] =	stream.linear.scatter [tilespmem:s19], [sflag:$0xE], $0x1900, $0x38;
	[tilespmem:$0x12000] =	vst v63  }
0x5c: {  	_ =	swait.ge [sflag:s28], $0x1900  }
0x5d: {  	[sflag:s28] =	ssyncset.done $0x0  }
0x5e: {  	s10 =	sadd.s32 @!p0 $0x480, s3;
	s14 =	simm.s32 @!p0 $0x5C00;
	[sflag:s28] =	ssyncadd.s32 $0xFFFFE700  }
0x5f: {  	[tilespmem:s14], [sflag:$0x2] =	stream.indirect.gather @!p0 [hbm4b:s1+s12], $0x80, s10, s12, $0xb8;
	[tilespmem:$0x12000] =	vst v63  }
0x60: {  	_ =	swait.ge [sflag:s29], $0x1900  }
0x61: {  	[sflag:s29] =	ssyncset.done $0x0  }
0x62: {  	s14 =	sadd.s32 $0x1500, s6;
	[sflag:s29] =	ssyncadd.s32 $0xFFFFE700  }
0x63: {  	[hbm4b:s14+s2] =	stream.linear.scatter [tilespmem:s21], [sflag:$0xF], $0x1900, $0x38;
	[tilespmem:$0x12000] =	vst v63  }
0x64: {  	_ =	swait.ge [sflag:s30], $0x1900  }
0x65: {  	[sflag:s30] =	ssyncset.done $0x0  }
0x66: {  	s3 =	sadd.s32 @!p0 $0x500, s3;
	s10 =	simm.s32 @!p0 $0x7800;
	[sflag:s30] =	ssyncadd.s32 $0xFFFFE700  }
0x67: {  	[tilespmem:s10], [sflag:$0x3] =	stream.indirect.gather @!p0 [hbm4b:s1+s12], $0x80, s3, s12, $0xb8;
	[tilespmem:$0x12000] =	vst v63  }
0x68: {  	_ =	swait.ge [sflag:s31], $0x1900  }
0x69: {  	[sflag:s31] =	ssyncset.done $0x0  }
.Ltmp2:
0x6a: {  	s14 =	sadd.s32 $0x1880, s6;
	[sflag:s31] =	ssyncadd.s32 $0xFFFFE700;
	(pc) =	sbr.rel @p0 .LBB2_4-.Ltmp2, $4  }
0x6b: {  	[hbm4b:s14+s2] =	stream.linear.scatter [tilespmem:s23], [sflag:$0x10], $0x1900, $0x38;
	[tilespmem:$0x12000] =	vst v63  }
0x6c: {  	_ =	swait.ge [sflag:s0], $0x1900  }
0x6d: {  	[sflag:s0] =	ssyncset.done $0x0  }
0x6e: {  	[sflag:s0] =	ssyncadd.s32 $0xFFFFE700  }
.Ltmp3:
0x6f: {  	(pc) =	sbr.rel .LBB2_2-.Ltmp3, $3  }
0x70: {  	_ =	sdelay $0x1  }
0x71: {  	s3 =	sadd.s32 $0x580, s7;
	s5 =	sadd.s32 $0x1000, s5;
	s6 =	sadd.s32 $0x1C00, s6  }
0x72: {  	[tilespmem:s15], [sflag:$0x4] =	stream.indirect.gather [hbm4b:s1+s8], $0x80, s3, s8, $0xb8;
	[tilespmem:$0x12000] =	vst v63  }
.LBB2_5:
0x73: {  	_ =	sfence.sel $0x180000  }
0x74: {  	[bflag:$0x0] =	sbarrier.arrive $0xFFFF  }
0x75: {  	_ =	strace $0x90000047  }
0x76: {  	s0 =	stileid.u32;
	[bflag:$0x2] =	sbarrier.arrive $0xFFFF  }
0x77: {  	p0 =	sne.s32 s0, $0x0;
	s0 =	rddreg [dreg:$0x3]  }
0x78: {  	s0 =	sadd.s32 @!p0 $0x100000, s0  }
0x79: {  	[sflag:s0] =	ssyncadd.tile.s32 @!p0 $0x1;
	_ =	shalt  }
.Lfunc_end2:
_tile_overlayer_lowered:
.L_overlay_start_2:
0x7a: {  	(tag) =	ssettag $0x2  }
0x7b: {  	s0 =	rddreg [dreg:$0x0];
	s2 =	stileid.u32  }
0x7c: {  	s1 =	rddreg [dreg:$0x1];
	p0 =	sne.s32 s2, $0x0  }
0x7d: {  	s3 =	rddreg [dreg:$0x2];
	[bflag:$0x3] =	sbarrier.arrive $0xFFFF;
	s2 =	simm.s32 @!p0 $0x1C11  }
0x7e: {  	[timem:s3], [sflag:s2] =	dma.local @!p0 [hbm:s0], s1  }
0x7f: {  	s0 =	simm.s32 @!p0 $0x11  }
0x80: {  	_ =	swait.ge @!p0 [sflag:s0], s1  }
0x81: {  	s1 =	ssub.s32 @!p0 $0x0, s1;
	[sflag:s0] =	ssyncset.done @!p0 $0x0  }
0x82: {  	[sflag:s0] =	ssyncadd.s32 @!p0 s1  }
0x83: {  	[bflag:$0x3] =	sbarrier.arrive $0xFFFF  }
0x84: {  	_ =	shalt  }

</sc_bundles>
